<compile_context>
chip_gen: v7x
topology: tpu7x:2x2x1
jax: 0.10.2.dev20260603
libtpu: 0.0.44.dev20260713+nightly
codegen_flags: <defaults>
</compile_context>

<pallas_src>
import functools

import jax
import jax.numpy as jnp
from jax import lax
from jax.experimental import pallas as pl
from jax.experimental.pallas import tpu as pltpu
from jax.experimental.pallas import tpu_sc as plsc

_R = 4


def _stage_kernel(tid_ref, ep_ref, sel4_ref, sel_buf, rep_buf, gsem, wsem):
    cp = pltpu.make_async_copy(ep_ref.at[:, tid_ref[0]], sel_buf, gsem)
    cp.start()
    cp.wait()
    rep_buf[...] = jnp.broadcast_to(sel_buf[...][:, None], rep_buf.shape)
    ocp = pltpu.make_async_copy(rep_buf, sel4_ref, wsem)
    ocp.start()
    ocp.wait()


def _tc_stage(e_p, task_id):
    nL, nT, P, D = e_p.shape
    tid = jnp.asarray(task_id, jnp.int32).reshape((1,))
    return pl.pallas_call(
        _stage_kernel,
        grid_spec=pltpu.PrefetchScalarGridSpec(
            num_scalar_prefetch=1,
            grid=(1,),
            in_specs=[pl.BlockSpec(memory_space=pl.ANY)],
            out_specs=pl.BlockSpec(memory_space=pl.ANY),
            scratch_shapes=[
                pltpu.VMEM((nL, P, D), e_p.dtype),
                pltpu.VMEM((nL, _R, P, D), e_p.dtype),
                pltpu.SemaphoreType.DMA,
                pltpu.SemaphoreType.DMA,
            ],
        ),
        out_shape=jax.ShapeDtypeStruct((nL, _R, P, D), e_p.dtype),
    )(tid, e_p)


def kernel(x_query, vis_mark, e_p, task_id):
    del vis_mark
    B = x_query.shape[0]
    nL, nT, P, D = e_p.shape
    sel4 = _tc_stage(e_p, task_id)

    info = plsc.get_sparse_core_info()
    NC, NS = info.num_cores, info.num_subcores
    NW = NC * NS
    wpl = 2
    nbw = B // wpl
    ngrp = nbw // _R
    mesh = plsc.VectorSubcoreMesh(core_axis_name="c", subcore_axis_name="s")

    @functools.partial(
        pl.kernel,
        out_type=jax.ShapeDtypeStruct((nL, B, P, D), jnp.float32),
        mesh=mesh,
        scratch_types=[
            pltpu.VMEM((_R, P, D), jnp.float32),
            pltpu.SemaphoreType.DMA,
            pltpu.SemaphoreType.DMA,
        ],
    )
    def sc_fn(sel4_hbm, out_hbm, big, gsem, wsem):
        wid = lax.axis_index("s") * NC + lax.axis_index("c")

        @pl.when(wid < nL * wpl)
        def _():
            l = wid // wpl
            b0 = (wid % wpl) * nbw
            fcp = pltpu.make_async_copy(sel4_hbm.at[l], big, gsem)
            fcp.start()
            fcp.wait()

            def write(i):
                return pltpu.make_async_copy(
                    big, out_hbm.at[l, pl.ds(b0 + i * _R, _R)], wsem
                )

            for i in range(ngrp):
                write(i).start()
            for i in range(ngrp):
                write(i).wait()

    return sc_fn(sel4)

# --- scband reference (transcript-rebuilt; emitter-appended) ---
"""Pipeline reference for scband-fixed-prompts-task-inc-2078764171785 (READ-ONLY COPY).

The authoritative reference and input builder live on the scoring server;
editing this copy changes nothing except your own understanding.
"""

import jax, jax.numpy as jnp
import numpy as np

N_TASKS = 50
EMB_D = 768
NUM_PROMPTS = 20
NUM_LAYERS = 12
BATCH = 128


def setup_inputs(seed: int = 0) -> dict:
    key = jax.random.key(seed)
    k1, k2 = jax.random.split(key)
    x_query = jax.random.normal(k1, (BATCH, NUM_LAYERS, EMB_D), dtype=jnp.float32)
    vis_mark = jnp.zeros((BATCH,), dtype=jnp.float32)
    # Learned prompt parameters: one [n_tasks, num_prompts, emb_d] table per layer,
    # stacked into e_p[nL, n_tasks, P, D]. Original uses nn.init.uniform_ (U[0,1)).
    e_p = jax.random.uniform(k2, (NUM_LAYERS, N_TASKS, NUM_PROMPTS, EMB_D), dtype=jnp.float32)
    task_id = 3
    return {"x_query": x_query, "vis_mark": vis_mark, "e_p": e_p, "task_id": task_id}


def reference(x_query, vis_mark, e_p, task_id):
    # forward: for each layer l, select e_p_l[task_id] -> [P, D],
    # expand to [B, P, D], stack over layers -> [nL, B, P, D]
    B, nL, C = x_query.shape
    sel = jnp.take(e_p, task_id, axis=1)  # [nL, P, D] gather over task dim
    p_return = jnp.broadcast_to(sel[:, None, :, :], (nL, B, sel.shape[1], sel.shape[2]))
    return p_return

if __name__ == "__main__":
    import jax
    _d = setup_inputs()
    print(jax.jit(kernel)(*tuple(_d.values())))

</pallas_src>

<mosaic_0001>
#map = affine_map<(d0, d1) -> (0, 0, 0, 0)>
module attributes {stable_mosaic.version = 14 : i64} {
  func.func @sc_fn(%arg0: i32, %arg1: i32, %arg2: memref<12x4x20x768xf32, #tpu.memory_space<hbm>>, %arg3: memref<12x128x20x768xf32, #tpu.memory_space<hbm>>, %arg4: memref<4x20x768xf32, #tpu.memory_space<vmem>>, %arg5: memref<!tpu.dma_semaphore, #tpu.memory_space<semaphore_mem>>, %arg6: memref<!tpu.dma_semaphore, #tpu.memory_space<semaphore_mem>>) attributes {dimension_semantics = [#tpu.dimension_semantics<core_parallel>, #tpu.dimension_semantics<subcore_parallel>], iteration_bounds = array<i64: 2, 16>, scalar_prefetch = 0 : i64, scratch_operands = 3 : i64, tpu.core_type = #tpu.core_type<sc_vector_subcore>, window_params = [{transform_indices = #map}, {transform_indices = #map}]} {
    %mul3A = arith.constant 2 : i32
    %mul3A_0 = arith.muli %arg1, %mul3A : i32
    %add3A = arith.addi %mul3A_0, %arg0 : i32
    %lt3A = arith.constant 24 : i32
    %lt3A_1 = arith.cmpi slt, %add3A, %lt3A : i32
    %convert_element_type3A = arith.extui %lt3A_1 : i1 to i32
    %cond3A = arith.constant 0 : i32
    %cond3A_2 = arith.cmpi ne, %convert_element_type3A, %cond3A : i32
    scf.if %cond3A_2 {
      %jit3A = arith.constant 2 : i32
      %div3A = arith.divsi %add3A, %jit3A : i32
      %sign3A = arith.constant 0 : i32
      %sign3A_3 = arith.cmpi sgt, %add3A, %sign3A : i32
      %sign3A_4 = arith.extui %sign3A_3 : i1 to i32
      %sign3A_5 = arith.constant 0 : i32
      %sign3A_6 = arith.cmpi slt, %add3A, %sign3A_5 : i32
      %sign3A_7 = arith.extui %sign3A_6 : i1 to i32
      %sign3A_8 = arith.subi %sign3A_4, %sign3A_7 : i32
      %sign3A_9 = arith.constant 0 : i32
      %sign3A_10 = arith.cmpi sgt, %jit3A, %sign3A_9 : i32
      %sign3A_11 = arith.extui %sign3A_10 : i1 to i32
      %sign3A_12 = arith.constant 0 : i32
      %sign3A_13 = arith.cmpi slt, %jit3A, %sign3A_12 : i32
      %sign3A_14 = arith.extui %sign3A_13 : i1 to i32
      %sign3A_15 = arith.subi %sign3A_11, %sign3A_14 : i32
      %ne3A = arith.cmpi ne, %sign3A_8, %sign3A_15 : i32
      %rem3A = arith.remsi %add3A, %jit3A : i32
      %ne3A_16 = arith.constant 0 : i32
      %ne3A_17 = arith.cmpi ne, %rem3A, %ne3A_16 : i32
      %and3A = arith.andi %ne3A, %ne3A_17 : i1
      %sub3A = arith.constant 1 : i32
      %sub3A_18 = arith.subi %div3A, %sub3A : i32
      %select_n3A = arith.select %and3A, %sub3A_18, %div3A : i32
      %jit3A_19 = arith.constant 2 : i32
      %eq3A = arith.constant 0 : i32
      %eq3A_20 = arith.cmpi eq, %jit3A_19, %eq3A : i32
      %jit3A_21 = arith.constant 1 : i32
      %select_n3A_22 = arith.select %eq3A_20, %jit3A_21, %jit3A_19 : i32
      %rem3A_23 = arith.remsi %add3A, %select_n3A_22 : i32
      %ne3A_24 = arith.constant 0 : i32
      %ne3A_25 = arith.cmpi ne, %rem3A_23, %ne3A_24 : i32
      %lt3A_26 = arith.constant 0 : i32
      %lt3A_27 = arith.cmpi slt, %rem3A_23, %lt3A_26 : i32
      %lt3A_28 = arith.constant 0 : i32
      %lt3A_29 = arith.cmpi slt, %select_n3A_22, %lt3A_28 : i32
      %ne3A_30 = arith.xori %lt3A_27, %lt3A_29 : i1
      %and3A_31 = arith.andi %ne3A_30, %ne3A_25 : i1
      %add3A_32 = arith.addi %rem3A_23, %select_n3A_22 : i32
      %select_n3A_33 = arith.select %and3A_31, %add3A_32, %rem3A_23 : i32
      %mul3A_34 = arith.constant 64 : i32
      %mul3A_35 = arith.muli %select_n3A_33, %mul3A_34 : i32
      %dma_start3A = arith.constant 0 : i32
      %dma_start3A_36 = arith.constant 0 : i32
      %dma_start3A_37 = arith.constant 0 : i32
      %dma_start3A_38 = tpu.memref_slice %arg2[%select_n3A, %dma_start3A, %dma_start3A_36, %dma_start3A_37] : memref<12x4x20x768xf32, #tpu.memory_space<hbm>> -> memref<1x4x20x768xf32, #tpu.memory_space<hbm>>
      %dma_start3A_39 = tpu.memref_squeeze %dma_start3A_38 : memref<1x4x20x768xf32, #tpu.memory_space<hbm>> -> memref<4x20x768xf32, #tpu.memory_space<hbm>>
      %dma_start3A_40 = arith.constant 0 : i32
      %dma_start3A_41 = arith.constant 0 : i32
      %dma_start3A_42 = arith.constant 0 : i32
      %dma_start3A_43 = tpu.memref_slice %arg2[%select_n3A, %dma_start3A_40, %dma_start3A_41, %dma_start3A_42] : memref<12x4x20x768xf32, #tpu.memory_space<hbm>> -> memref<1x4x20x768xf32, #tpu.memory_space<hbm>>
      %dma_start3A_44 = tpu.memref_squeeze %dma_start3A_43 : memref<1x4x20x768xf32, #tpu.memory_space<hbm>> -> memref<4x20x768xf32, #tpu.memory_space<hbm>>
      tpu.enqueue_dma source(%dma_start3A_44 : memref<4x20x768xf32, #tpu.memory_space<hbm>>) target(%arg4 : memref<4x20x768xf32, #tpu.memory_space<vmem>>) target_semaphore(%arg5 : memref<!tpu.dma_semaphore, #tpu.memory_space<semaphore_mem>>)
      %dma_wait3A = arith.constant 0 : i32
      %dma_wait3A_45 = arith.constant 0 : i32
      %dma_wait3A_46 = arith.constant 0 : i32
      %dma_wait3A_47 = tpu.memref_slice %arg2[%select_n3A, %dma_wait3A, %dma_wait3A_45, %dma_wait3A_46] : memref<12x4x20x768xf32, #tpu.memory_space<hbm>> -> memref<1x4x20x768xf32, #tpu.memory_space<hbm>>
      %dma_wait3A_48 = tpu.memref_squeeze %dma_wait3A_47 : memref<1x4x20x768xf32, #tpu.memory_space<hbm>> -> memref<4x20x768xf32, #tpu.memory_space<hbm>>
      %dma_wait3A_49 = arith.constant 0 : i32
      %dma_wait3A_50 = arith.constant 0 : i32
      %dma_wait3A_51 = arith.constant 0 : i32
      %dma_wait3A_52 = tpu.memref_slice %arg2[%select_n3A, %dma_wait3A_49, %dma_wait3A_50, %dma_wait3A_51] : memref<12x4x20x768xf32, #tpu.memory_space<hbm>> -> memref<1x4x20x768xf32, #tpu.memory_space<hbm>>
      %dma_wait3A_53 = tpu.memref_squeeze %dma_wait3A_52 : memref<1x4x20x768xf32, #tpu.memory_space<hbm>> -> memref<4x20x768xf32, #tpu.memory_space<hbm>>
      tpu.wait_dma2 semaphore(%arg5 : memref<!tpu.dma_semaphore, #tpu.memory_space<semaphore_mem>>) src(%dma_wait3A_53 : memref<4x20x768xf32, #tpu.memory_space<hbm>>) dst(%arg4 : memref<4x20x768xf32, #tpu.memory_space<vmem>>)
      %add3A_54 = arith.constant 0 : i32
      %add3A_55 = arith.addi %mul3A_35, %add3A_54 : i32
      %dma_start3A_56 = arith.constant 0 : i32
      %dma_start3A_57 = arith.constant 0 : i32
      %dma_start3A_58 = tpu.memref_slice %arg3[%select_n3A, %add3A_55, %dma_start3A_56, %dma_start3A_57] : memref<12x128x20x768xf32, #tpu.memory_space<hbm>> -> memref<1x4x20x768xf32, #tpu.memory_space<hbm>>
      %dma_start3A_59 = tpu.memref_squeeze %dma_start3A_58 : memref<1x4x20x768xf32, #tpu.memory_space<hbm>> -> memref<4x20x768xf32, #tpu.memory_space<hbm>>
      %dma_start3A_60 = arith.constant 0 : i32
      %dma_start3A_61 = arith.constant 0 : i32
      %dma_start3A_62 = tpu.memref_slice %arg3[%select_n3A, %add3A_55, %dma_start3A_60, %dma_start3A_61] : memref<12x128x20x768xf32, #tpu.memory_space<hbm>> -> memref<1x4x20x768xf32, #tpu.memory_space<hbm>>
      %dma_start3A_63 = tpu.memref_squeeze %dma_start3A_62 : memref<1x4x20x768xf32, #tpu.memory_space<hbm>> -> memref<4x20x768xf32, #tpu.memory_space<hbm>>
      tpu.enqueue_dma source(%arg4 : memref<4x20x768xf32, #tpu.memory_space<vmem>>) target(%dma_start3A_63 : memref<4x20x768xf32, #tpu.memory_space<hbm>>) target_semaphore(%arg6 : memref<!tpu.dma_semaphore, #tpu.memory_space<semaphore_mem>>)
      %add3A_64 = arith.constant 4 : i32
      %add3A_65 = arith.addi %mul3A_35, %add3A_64 : i32
      %dma_start3A_66 = arith.constant 0 : i32
      %dma_start3A_67 = arith.constant 0 : i32
      %dma_start3A_68 = tpu.memref_slice %arg3[%select_n3A, %add3A_65, %dma_start3A_66, %dma_start3A_67] : memref<12x128x20x768xf32, #tpu.memory_space<hbm>> -> memref<1x4x20x768xf32, #tpu.memory_space<hbm>>
      %dma_start3A_69 = tpu.memref_squeeze %dma_start3A_68 : memref<1x4x20x768xf32, #tpu.memory_space<hbm>> -> memref<4x20x768xf32, #tpu.memory_space<hbm>>
      %dma_start3A_70 = arith.constant 0 : i32
      %dma_start3A_71 = arith.constant 0 : i32
      %dma_start3A_72 = tpu.memref_slice %arg3[%select_n3A, %add3A_65, %dma_start3A_70, %dma_start3A_71] : memref<12x128x20x768xf32, #tpu.memory_space<hbm>> -> memref<1x4x20x768xf32, #tpu.memory_space<hbm>>
      %dma_start3A_73 = tpu.memref_squeeze %dma_start3A_72 : memref<1x4x20x768xf32, #tpu.memory_space<hbm>> -> memref<4x20x768xf32, #tpu.memory_space<hbm>>
      tpu.enqueue_dma source(%arg4 : memref<4x20x768xf32, #tpu.memory_space<vmem>>) target(%dma_start3A_73 : memref<4x20x768xf32, #tpu.memory_space<hbm>>) target_semaphore(%arg6 : memref<!tpu.dma_semaphore, #tpu.memory_space<semaphore_mem>>)
      %add3A_74 = arith.constant 8 : i32
      %add3A_75 = arith.addi %mul3A_35, %add3A_74 : i32
      %dma_start3A_76 = arith.constant 0 : i32
      %dma_start3A_77 = arith.constant 0 : i32
      %dma_start3A_78 = tpu.memref_slice %arg3[%select_n3A, %add3A_75, %dma_start3A_76, %dma_start3A_77] : memref<12x128x20x768xf32, #tpu.memory_space<hbm>> -> memref<1x4x20x768xf32, #tpu.memory_space<hbm>>
      %dma_start3A_79 = tpu.memref_squeeze %dma_start3A_78 : memref<1x4x20x768xf32, #tpu.memory_space<hbm>> -> memref<4x20x768xf32, #tpu.memory_space<hbm>>
      %dma_start3A_80 = arith.constant 0 : i32
      %dma_start3A_81 = arith.constant 0 : i32
      %dma_start3A_82 = tpu.memref_slice %arg3[%select_n3A, %add3A_75, %dma_start3A_80, %dma_start3A_81] : memref<12x128x20x768xf32, #tpu.memory_space<hbm>> -> memref<1x4x20x768xf32, #tpu.memory_space<hbm>>
      %dma_start3A_83 = tpu.memref_squeeze %dma_start3A_82 : memref<1x4x20x768xf32, #tpu.memory_space<hbm>> -> memref<4x20x768xf32, #tpu.memory_space<hbm>>
      tpu.enqueue_dma source(%arg4 : memref<4x20x768xf32, #tpu.memory_space<vmem>>) target(%dma_start3A_83 : memref<4x20x768xf32, #tpu.memory_space<hbm>>) target_semaphore(%arg6 : memref<!tpu.dma_semaphore, #tpu.memory_space<semaphore_mem>>)
      %add3A_84 = arith.constant 12 : i32
      %add3A_85 = arith.addi %mul3A_35, %add3A_84 : i32
      %dma_start3A_86 = arith.constant 0 : i32
      %dma_start3A_87 = arith.constant 0 : i32
      %dma_start3A_88 = tpu.memref_slice %arg3[%select_n3A, %add3A_85, %dma_start3A_86, %dma_start3A_87] : memref<12x128x20x768xf32, #tpu.memory_space<hbm>> -> memref<1x4x20x768xf32, #tpu.memory_space<hbm>>
      %dma_start3A_89 = tpu.memref_squeeze %dma_start3A_88 : memref<1x4x20x768xf32, #tpu.memory_space<hbm>> -> memref<4x20x768xf32, #tpu.memory_space<hbm>>
      %dma_start3A_90 = arith.constant 0 : i32
      %dma_start3A_91 = arith.constant 0 : i32
      %dma_start3A_92 = tpu.memref_slice %arg3[%select_n3A, %add3A_85, %dma_start3A_90, %dma_start3A_91] : memref<12x128x20x768xf32, #tpu.memory_space<hbm>> -> memref<1x4x20x768xf32, #tpu.memory_space<hbm>>
      %dma_start3A_93 = tpu.memref_squeeze %dma_start3A_92 : memref<1x4x20x768xf32, #tpu.memory_space<hbm>> -> memref<4x20x768xf32, #tpu.memory_space<hbm>>
      tpu.enqueue_dma source(%arg4 : memref<4x20x768xf32, #tpu.memory_space<vmem>>) target(%dma_start3A_93 : memref<4x20x768xf32, #tpu.memory_space<hbm>>) target_semaphore(%arg6 : memref<!tpu.dma_semaphore, #tpu.memory_space<semaphore_mem>>)
      %add3A_94 = arith.constant 16 : i32
      %add3A_95 = arith.addi %mul3A_35, %add3A_94 : i32
      %dma_start3A_96 = arith.constant 0 : i32
      %dma_start3A_97 = arith.constant 0 : i32
      %dma_start3A_98 = tpu.memref_slice %arg3[%select_n3A, %add3A_95, %dma_start3A_96, %dma_start3A_97] : memref<12x128x20x768xf32, #tpu.memory_space<hbm>> -> memref<1x4x20x768xf32, #tpu.memory_space<hbm>>
      %dma_start3A_99 = tpu.memref_squeeze %dma_start3A_98 : memref<1x4x20x768xf32, #tpu.memory_space<hbm>> -> memref<4x20x768xf32, #tpu.memory_space<hbm>>
      %dma_start3A_100 = arith.constant 0 : i32
      %dma_start3A_101 = arith.constant 0 : i32
      %dma_start3A_102 = tpu.memref_slice %arg3[%select_n3A, %add3A_95, %dma_start3A_100, %dma_start3A_101] : memref<12x128x20x768xf32, #tpu.memory_space<hbm>> -> memref<1x4x20x768xf32, #tpu.memory_space<hbm>>
      %dma_start3A_103 = tpu.memref_squeeze %dma_start3A_102 : memref<1x4x20x768xf32, #tpu.memory_space<hbm>> -> memref<4x20x768xf32, #tpu.memory_space<hbm>>
      tpu.enqueue_dma source(%arg4 : memref<4x20x768xf32, #tpu.memory_space<vmem>>) target(%dma_start3A_103 : memref<4x20x768xf32, #tpu.memory_space<hbm>>) target_semaphore(%arg6 : memref<!tpu.dma_semaphore, #tpu.memory_space<semaphore_mem>>)
      %add3A_104 = arith.constant 20 : i32
      %add3A_105 = arith.addi %mul3A_35, %add3A_104 : i32
      %dma_start3A_106 = arith.constant 0 : i32
      %dma_start3A_107 = arith.constant 0 : i32
      %dma_start3A_108 = tpu.memref_slice %arg3[%select_n3A, %add3A_105, %dma_start3A_106, %dma_start3A_107] : memref<12x128x20x768xf32, #tpu.memory_space<hbm>> -> memref<1x4x20x768xf32, #tpu.memory_space<hbm>>
      %dma_start3A_109 = tpu.memref_squeeze %dma_start3A_108 : memref<1x4x20x768xf32, #tpu.memory_space<hbm>> -> memref<4x20x768xf32, #tpu.memory_space<hbm>>
      %dma_start3A_110 = arith.constant 0 : i32
      %dma_start3A_111 = arith.constant 0 : i32
      %dma_start3A_112 = tpu.memref_slice %arg3[%select_n3A, %add3A_105, %dma_start3A_110, %dma_start3A_111] : memref<12x128x20x768xf32, #tpu.memory_space<hbm>> -> memref<1x4x20x768xf32, #tpu.memory_space<hbm>>
      %dma_start3A_113 = tpu.memref_squeeze %dma_start3A_112 : memref<1x4x20x768xf32, #tpu.memory_space<hbm>> -> memref<4x20x768xf32, #tpu.memory_space<hbm>>
      tpu.enqueue_dma source(%arg4 : memref<4x20x768xf32, #tpu.memory_space<vmem>>) target(%dma_start3A_113 : memref<4x20x768xf32, #tpu.memory_space<hbm>>) target_semaphore(%arg6 : memref<!tpu.dma_semaphore, #tpu.memory_space<semaphore_mem>>)
      %add3A_114 = arith.constant 24 : i32
      %add3A_115 = arith.addi %mul3A_35, %add3A_114 : i32
      %dma_start3A_116 = arith.constant 0 : i32
      %dma_start3A_117 = arith.constant 0 : i32
      %dma_start3A_118 = tpu.memref_slice %arg3[%select_n3A, %add3A_115, %dma_start3A_116, %dma_start3A_117] : memref<12x128x20x768xf32, #tpu.memory_space<hbm>> -> memref<1x4x20x768xf32, #tpu.memory_space<hbm>>
      %dma_start3A_119 = tpu.memref_squeeze %dma_start3A_118 : memref<1x4x20x768xf32, #tpu.memory_space<hbm>> -> memref<4x20x768xf32, #tpu.memory_space<hbm>>
      %dma_start3A_120 = arith.constant 0 : i32
      %dma_start3A_121 = arith.constant 0 : i32
      %dma_start3A_122 = tpu.memref_slice %arg3[%select_n3A, %add3A_115, %dma_start3A_120, %dma_start3A_121] : memref<12x128x20x768xf32, #tpu.memory_space<hbm>> -> memref<1x4x20x768xf32, #tpu.memory_space<hbm>>
      %dma_start3A_123 = tpu.memref_squeeze %dma_start3A_122 : memref<1x4x20x768xf32, #tpu.memory_space<hbm>> -> memref<4x20x768xf32, #tpu.memory_space<hbm>>
      tpu.enqueue_dma source(%arg4 : memref<4x20x768xf32, #tpu.memory_space<vmem>>) target(%dma_start3A_123 : memref<4x20x768xf32, #tpu.memory_space<hbm>>) target_semaphore(%arg6 : memref<!tpu.dma_semaphore, #tpu.memory_space<semaphore_mem>>)
      %add3A_124 = arith.constant 28 : i32
      %add3A_125 = arith.addi %mul3A_35, %add3A_124 : i32
      %dma_start3A_126 = arith.constant 0 : i32
      %dma_start3A_127 = arith.constant 0 : i32
      %dma_start3A_128 = tpu.memref_slice %arg3[%select_n3A, %add3A_125, %dma_start3A_126, %dma_start3A_127] : memref<12x128x20x768xf32, #tpu.memory_space<hbm>> -> memref<1x4x20x768xf32, #tpu.memory_space<hbm>>
      %dma_start3A_129 = tpu.memref_squeeze %dma_start3A_128 : memref<1x4x20x768xf32, #tpu.memory_space<hbm>> -> memref<4x20x768xf32, #tpu.memory_space<hbm>>
      %dma_start3A_130 = arith.constant 0 : i32
      %dma_start3A_131 = arith.constant 0 : i32
      %dma_start3A_132 = tpu.memref_slice %arg3[%select_n3A, %add3A_125, %dma_start3A_130, %dma_start3A_131] : memref<12x128x20x768xf32, #tpu.memory_space<hbm>> -> memref<1x4x20x768xf32, #tpu.memory_space<hbm>>
      %dma_start3A_133 = tpu.memref_squeeze %dma_start3A_132 : memref<1x4x20x768xf32, #tpu.memory_space<hbm>> -> memref<4x20x768xf32, #tpu.memory_space<hbm>>
      tpu.enqueue_dma source(%arg4 : memref<4x20x768xf32, #tpu.memory_space<vmem>>) target(%dma_start3A_133 : memref<4x20x768xf32, #tpu.memory_space<hbm>>) target_semaphore(%arg6 : memref<!tpu.dma_semaphore, #tpu.memory_space<semaphore_mem>>)
      %add3A_134 = arith.constant 32 : i32
      %add3A_135 = arith.addi %mul3A_35, %add3A_134 : i32
      %dma_start3A_136 = arith.constant 0 : i32
      %dma_start3A_137 = arith.constant 0 : i32
      %dma_start3A_138 = tpu.memref_slice %arg3[%select_n3A, %add3A_135, %dma_start3A_136, %dma_start3A_137] : memref<12x128x20x768xf32, #tpu.memory_space<hbm>> -> memref<1x4x20x768xf32, #tpu.memory_space<hbm>>
      %dma_start3A_139 = tpu.memref_squeeze %dma_start3A_138 : memref<1x4x20x768xf32, #tpu.memory_space<hbm>> -> memref<4x20x768xf32, #tpu.memory_space<hbm>>
      %dma_start3A_140 = arith.constant 0 : i32
      %dma_start3A_141 = arith.constant 0 : i32
      %dma_start3A_142 = tpu.memref_slice %arg3[%select_n3A, %add3A_135, %dma_start3A_140, %dma_start3A_141] : memref<12x128x20x768xf32, #tpu.memory_space<hbm>> -> memref<1x4x20x768xf32, #tpu.memory_space<hbm>>
      %dma_start3A_143 = tpu.memref_squeeze %dma_start3A_142 : memref<1x4x20x768xf32, #tpu.memory_space<hbm>> -> memref<4x20x768xf32, #tpu.memory_space<hbm>>
      tpu.enqueue_dma source(%arg4 : memref<4x20x768xf32, #tpu.memory_space<vmem>>) target(%dma_start3A_143 : memref<4x20x768xf32, #tpu.memory_space<hbm>>) target_semaphore(%arg6 : memref<!tpu.dma_semaphore, #tpu.memory_space<semaphore_mem>>)
      %add3A_144 = arith.constant 36 : i32
      %add3A_145 = arith.addi %mul3A_35, %add3A_144 : i32
      %dma_start3A_146 = arith.constant 0 : i32
      %dma_start3A_147 = arith.constant 0 : i32
      %dma_start3A_148 = tpu.memref_slice %arg3[%select_n3A, %add3A_145, %dma_start3A_146, %dma_start3A_147] : memref<12x128x20x768xf32, #tpu.memory_space<hbm>> -> memref<1x4x20x768xf32, #tpu.memory_space<hbm>>
      %dma_start3A_149 = tpu.memref_squeeze %dma_start3A_148 : memref<1x4x20x768xf32, #tpu.memory_space<hbm>> -> memref<4x20x768xf32, #tpu.memory_space<hbm>>
      %dma_start3A_150 = arith.constant 0 : i32
      %dma_start3A_151 = arith.constant 0 : i32
      %dma_start3A_152 = tpu.memref_slice %arg3[%select_n3A, %add3A_145, %dma_start3A_150, %dma_start3A_151] : memref<12x128x20x768xf32, #tpu.memory_space<hbm>> -> memref<1x4x20x768xf32, #tpu.memory_space<hbm>>
      %dma_start3A_153 = tpu.memref_squeeze %dma_start3A_152 : memref<1x4x20x768xf32, #tpu.memory_space<hbm>> -> memref<4x20x768xf32, #tpu.memory_space<hbm>>
      tpu.enqueue_dma source(%arg4 : memref<4x20x768xf32, #tpu.memory_space<vmem>>) target(%dma_start3A_153 : memref<4x20x768xf32, #tpu.memory_space<hbm>>) target_semaphore(%arg6 : memref<!tpu.dma_semaphore, #tpu.memory_space<semaphore_mem>>)
      %add3A_154 = arith.constant 40 : i32
      %add3A_155 = arith.addi %mul3A_35, %add3A_154 : i32
      %dma_start3A_156 = arith.constant 0 : i32
      %dma_start3A_157 = arith.constant 0 : i32
      %dma_start3A_158 = tpu.memref_slice %arg3[%select_n3A, %add3A_155, %dma_start3A_156, %dma_start3A_157] : memref<12x128x20x768xf32, #tpu.memory_space<hbm>> -> memref<1x4x20x768xf32, #tpu.memory_space<hbm>>
      %dma_start3A_159 = tpu.memref_squeeze %dma_start3A_158 : memref<1x4x20x768xf32, #tpu.memory_space<hbm>> -> memref<4x20x768xf32, #tpu.memory_space<hbm>>
      %dma_start3A_160 = arith.constant 0 : i32
      %dma_start3A_161 = arith.constant 0 : i32
      %dma_start3A_162 = tpu.memref_slice %arg3[%select_n3A, %add3A_155, %dma_start3A_160, %dma_start3A_161] : memref<12x128x20x768xf32, #tpu.memory_space<hbm>> -> memref<1x4x20x768xf32, #tpu.memory_space<hbm>>
      %dma_start3A_163 = tpu.memref_squeeze %dma_start3A_162 : memref<1x4x20x768xf32, #tpu.memory_space<hbm>> -> memref<4x20x768xf32, #tpu.memory_space<hbm>>
      tpu.enqueue_dma source(%arg4 : memref<4x20x768xf32, #tpu.memory_space<vmem>>) target(%dma_start3A_163 : memref<4x20x768xf32, #tpu.memory_space<hbm>>) target_semaphore(%arg6 : memref<!tpu.dma_semaphore, #tpu.memory_space<semaphore_mem>>)
      %add3A_164 = arith.constant 44 : i32
      %add3A_165 = arith.addi %mul3A_35, %add3A_164 : i32
      %dma_start3A_166 = arith.constant 0 : i32
      %dma_start3A_167 = arith.constant 0 : i32
      %dma_start3A_168 = tpu.memref_slice %arg3[%select_n3A, %add3A_165, %dma_start3A_166, %dma_start3A_167] : memref<12x128x20x768xf32, #tpu.memory_space<hbm>> -> memref<1x4x20x768xf32, #tpu.memory_space<hbm>>
      %dma_start3A_169 = tpu.memref_squeeze %dma_start3A_168 : memref<1x4x20x768xf32, #tpu.memory_space<hbm>> -> memref<4x20x768xf32, #tpu.memory_space<hbm>>
      %dma_start3A_170 = arith.constant 0 : i32
      %dma_start3A_171 = arith.constant 0 : i32
      %dma_start3A_172 = tpu.memref_slice %arg3[%select_n3A, %add3A_165, %dma_start3A_170, %dma_start3A_171] : memref<12x128x20x768xf32, #tpu.memory_space<hbm>> -> memref<1x4x20x768xf32, #tpu.memory_space<hbm>>
      %dma_start3A_173 = tpu.memref_squeeze %dma_start3A_172 : memref<1x4x20x768xf32, #tpu.memory_space<hbm>> -> memref<4x20x768xf32, #tpu.memory_space<hbm>>
      tpu.enqueue_dma source(%arg4 : memref<4x20x768xf32, #tpu.memory_space<vmem>>) target(%dma_start3A_173 : memref<4x20x768xf32, #tpu.memory_space<hbm>>) target_semaphore(%arg6 : memref<!tpu.dma_semaphore, #tpu.memory_space<semaphore_mem>>)
      %add3A_174 = arith.constant 48 : i32
      %add3A_175 = arith.addi %mul3A_35, %add3A_174 : i32
      %dma_start3A_176 = arith.constant 0 : i32
      %dma_start3A_177 = arith.constant 0 : i32
      %dma_start3A_178 = tpu.memref_slice %arg3[%select_n3A, %add3A_175, %dma_start3A_176, %dma_start3A_177] : memref<12x128x20x768xf32, #tpu.memory_space<hbm>> -> memref<1x4x20x768xf32, #tpu.memory_space<hbm>>
      %dma_start3A_179 = tpu.memref_squeeze %dma_start3A_178 : memref<1x4x20x768xf32, #tpu.memory_space<hbm>> -> memref<4x20x768xf32, #tpu.memory_space<hbm>>
      %dma_start3A_180 = arith.constant 0 : i32
      %dma_start3A_181 = arith.constant 0 : i32
      %dma_start3A_182 = tpu.memref_slice %arg3[%select_n3A, %add3A_175, %dma_start3A_180, %dma_start3A_181] : memref<12x128x20x768xf32, #tpu.memory_space<hbm>> -> memref<1x4x20x768xf32, #tpu.memory_space<hbm>>
      %dma_start3A_183 = tpu.memref_squeeze %dma_start3A_182 : memref<1x4x20x768xf32, #tpu.memory_space<hbm>> -> memref<4x20x768xf32, #tpu.memory_space<hbm>>
      tpu.enqueue_dma source(%arg4 : memref<4x20x768xf32, #tpu.memory_space<vmem>>) target(%dma_start3A_183 : memref<4x20x768xf32, #tpu.memory_space<hbm>>) target_semaphore(%arg6 : memref<!tpu.dma_semaphore, #tpu.memory_space<semaphore_mem>>)
      %add3A_184 = arith.constant 52 : i32
      %add3A_185 = arith.addi %mul3A_35, %add3A_184 : i32
      %dma_start3A_186 = arith.constant 0 : i32
      %dma_start3A_187 = arith.constant 0 : i32
      %dma_start3A_188 = tpu.memref_slice %arg3[%select_n3A, %add3A_185, %dma_start3A_186, %dma_start3A_187] : memref<12x128x20x768xf32, #tpu.memory_space<hbm>> -> memref<1x4x20x768xf32, #tpu.memory_space<hbm>>
      %dma_start3A_189 = tpu.memref_squeeze %dma_start3A_188 : memref<1x4x20x768xf32, #tpu.memory_space<hbm>> -> memref<4x20x768xf32, #tpu.memory_space<hbm>>
      %dma_start3A_190 = arith.constant 0 : i32
      %dma_start3A_191 = arith.constant 0 : i32
      %dma_start3A_192 = tpu.memref_slice %arg3[%select_n3A, %add3A_185, %dma_start3A_190, %dma_start3A_191] : memref<12x128x20x768xf32, #tpu.memory_space<hbm>> -> memref<1x4x20x768xf32, #tpu.memory_space<hbm>>
      %dma_start3A_193 = tpu.memref_squeeze %dma_start3A_192 : memref<1x4x20x768xf32, #tpu.memory_space<hbm>> -> memref<4x20x768xf32, #tpu.memory_space<hbm>>
      tpu.enqueue_dma source(%arg4 : memref<4x20x768xf32, #tpu.memory_space<vmem>>) target(%dma_start3A_193 : memref<4x20x768xf32, #tpu.memory_space<hbm>>) target_semaphore(%arg6 : memref<!tpu.dma_semaphore, #tpu.memory_space<semaphore_mem>>)
      %add3A_194 = arith.constant 56 : i32
      %add3A_195 = arith.addi %mul3A_35, %add3A_194 : i32
      %dma_start3A_196 = arith.constant 0 : i32
      %dma_start3A_197 = arith.constant 0 : i32
      %dma_start3A_198 = tpu.memref_slice %arg3[%select_n3A, %add3A_195, %dma_start3A_196, %dma_start3A_197] : memref<12x128x20x768xf32, #tpu.memory_space<hbm>> -> memref<1x4x20x768xf32, #tpu.memory_space<hbm>>
      %dma_start3A_199 = tpu.memref_squeeze %dma_start3A_198 : memref<1x4x20x768xf32, #tpu.memory_space<hbm>> -> memref<4x20x768xf32, #tpu.memory_space<hbm>>
      %dma_start3A_200 = arith.constant 0 : i32
      %dma_start3A_201 = arith.constant 0 : i32
      %dma_start3A_202 = tpu.memref_slice %arg3[%select_n3A, %add3A_195, %dma_start3A_200, %dma_start3A_201] : memref<12x128x20x768xf32, #tpu.memory_space<hbm>> -> memref<1x4x20x768xf32, #tpu.memory_space<hbm>>
      %dma_start3A_203 = tpu.memref_squeeze %dma_start3A_202 : memref<1x4x20x768xf32, #tpu.memory_space<hbm>> -> memref<4x20x768xf32, #tpu.memory_space<hbm>>
      tpu.enqueue_dma source(%arg4 : memref<4x20x768xf32, #tpu.memory_space<vmem>>) target(%dma_start3A_203 : memref<4x20x768xf32, #tpu.memory_space<hbm>>) target_semaphore(%arg6 : memref<!tpu.dma_semaphore, #tpu.memory_space<semaphore_mem>>)
      %add3A_204 = arith.constant 60 : i32
      %add3A_205 = arith.addi %mul3A_35, %add3A_204 : i32
      %dma_start3A_206 = arith.constant 0 : i32
      %dma_start3A_207 = arith.constant 0 : i32
      %dma_start3A_208 = tpu.memref_slice %arg3[%select_n3A, %add3A_205, %dma_start3A_206, %dma_start3A_207] : memref<12x128x20x768xf32, #tpu.memory_space<hbm>> -> memref<1x4x20x768xf32, #tpu.memory_space<hbm>>
      %dma_start3A_209 = tpu.memref_squeeze %dma_start3A_208 : memref<1x4x20x768xf32, #tpu.memory_space<hbm>> -> memref<4x20x768xf32, #tpu.memory_space<hbm>>
      %dma_start3A_210 = arith.constant 0 : i32
      %dma_start3A_211 = arith.constant 0 : i32
      %dma_start3A_212 = tpu.memref_slice %arg3[%select_n3A, %add3A_205, %dma_start3A_210, %dma_start3A_211] : memref<12x128x20x768xf32, #tpu.memory_space<hbm>> -> memref<1x4x20x768xf32, #tpu.memory_space<hbm>>
      %dma_start3A_213 = tpu.memref_squeeze %dma_start3A_212 : memref<1x4x20x768xf32, #tpu.memory_space<hbm>> -> memref<4x20x768xf32, #tpu.memory_space<hbm>>
      tpu.enqueue_dma source(%arg4 : memref<4x20x768xf32, #tpu.memory_space<vmem>>) target(%dma_start3A_213 : memref<4x20x768xf32, #tpu.memory_space<hbm>>) target_semaphore(%arg6 : memref<!tpu.dma_semaphore, #tpu.memory_space<semaphore_mem>>)
      %add3A_214 = arith.constant 0 : i32
      %add3A_215 = arith.addi %mul3A_35, %add3A_214 : i32
      %dma_wait3A_216 = arith.constant 0 : i32
      %dma_wait3A_217 = arith.constant 0 : i32
      %dma_wait3A_218 = tpu.memref_slice %arg3[%select_n3A, %add3A_215, %dma_wait3A_216, %dma_wait3A_217] : memref<12x128x20x768xf32, #tpu.memory_space<hbm>> -> memref<1x4x20x768xf32, #tpu.memory_space<hbm>>
      %dma_wait3A_219 = tpu.memref_squeeze %dma_wait3A_218 : memref<1x4x20x768xf32, #tpu.memory_space<hbm>> -> memref<4x20x768xf32, #tpu.memory_space<hbm>>
      %dma_wait3A_220 = arith.constant 0 : i32
      %dma_wait3A_221 = arith.constant 0 : i32
      %dma_wait3A_222 = tpu.memref_slice %arg3[%select_n3A, %add3A_215, %dma_wait3A_220, %dma_wait3A_221] : memref<12x128x20x768xf32, #tpu.memory_space<hbm>> -> memref<1x4x20x768xf32, #tpu.memory_space<hbm>>
      %dma_wait3A_223 = tpu.memref_squeeze %dma_wait3A_222 : memref<1x4x20x768xf32, #tpu.memory_space<hbm>> -> memref<4x20x768xf32, #tpu.memory_space<hbm>>
      tpu.wait_dma2 semaphore(%arg6 : memref<!tpu.dma_semaphore, #tpu.memory_space<semaphore_mem>>) src(%arg4 : memref<4x20x768xf32, #tpu.memory_space<vmem>>) dst(%dma_wait3A_223 : memref<4x20x768xf32, #tpu.memory_space<hbm>>)
      %add3A_224 = arith.constant 4 : i32
      %add3A_225 = arith.addi %mul3A_35, %add3A_224 : i32
      %dma_wait3A_226 = arith.constant 0 : i32
      %dma_wait3A_227 = arith.constant 0 : i32
      %dma_wait3A_228 = tpu.memref_slice %arg3[%select_n3A, %add3A_225, %dma_wait3A_226, %dma_wait3A_227] : memref<12x128x20x768xf32, #tpu.memory_space<hbm>> -> memref<1x4x20x768xf32, #tpu.memory_space<hbm>>
      %dma_wait3A_229 = tpu.memref_squeeze %dma_wait3A_228 : memref<1x4x20x768xf32, #tpu.memory_space<hbm>> -> memref<4x20x768xf32, #tpu.memory_space<hbm>>
      %dma_wait3A_230 = arith.constant 0 : i32
      %dma_wait3A_231 = arith.constant 0 : i32
      %dma_wait3A_232 = tpu.memref_slice %arg3[%select_n3A, %add3A_225, %dma_wait3A_230, %dma_wait3A_231] : memref<12x128x20x768xf32, #tpu.memory_space<hbm>> -> memref<1x4x20x768xf32, #tpu.memory_space<hbm>>
      %dma_wait3A_233 = tpu.memref_squeeze %dma_wait3A_232 : memref<1x4x20x768xf32, #tpu.memory_space<hbm>> -> memref<4x20x768xf32, #tpu.memory_space<hbm>>
      tpu.wait_dma2 semaphore(%arg6 : memref<!tpu.dma_semaphore, #tpu.memory_space<semaphore_mem>>) src(%arg4 : memref<4x20x768xf32, #tpu.memory_space<vmem>>) dst(%dma_wait3A_233 : memref<4x20x768xf32, #tpu.memory_space<hbm>>)
      %add3A_234 = arith.constant 8 : i32
      %add3A_235 = arith.addi %mul3A_35, %add3A_234 : i32
      %dma_wait3A_236 = arith.constant 0 : i32
      %dma_wait3A_237 = arith.constant 0 : i32
      %dma_wait3A_238 = tpu.memref_slice %arg3[%select_n3A, %add3A_235, %dma_wait3A_236, %dma_wait3A_237] : memref<12x128x20x768xf32, #tpu.memory_space<hbm>> -> memref<1x4x20x768xf32, #tpu.memory_space<hbm>>
      %dma_wait3A_239 = tpu.memref_squeeze %dma_wait3A_238 : memref<1x4x20x768xf32, #tpu.memory_space<hbm>> -> memref<4x20x768xf32, #tpu.memory_space<hbm>>
      %dma_wait3A_240 = arith.constant 0 : i32
      %dma_wait3A_241 = arith.constant 0 : i32
      %dma_wait3A_242 = tpu.memref_slice %arg3[%select_n3A, %add3A_235, %dma_wait3A_240, %dma_wait3A_241] : memref<12x128x20x768xf32, #tpu.memory_space<hbm>> -> memref<1x4x20x768xf32, #tpu.memory_space<hbm>>
      %dma_wait3A_243 = tpu.memref_squeeze %dma_wait3A_242 : memref<1x4x20x768xf32, #tpu.memory_space<hbm>> -> memref<4x20x768xf32, #tpu.memory_space<hbm>>
      tpu.wait_dma2 semaphore(%arg6 : memref<!tpu.dma_semaphore, #tpu.memory_space<semaphore_mem>>) src(%arg4 : memref<4x20x768xf32, #tpu.memory_space<vmem>>) dst(%dma_wait3A_243 : memref<4x20x768xf32, #tpu.memory_space<hbm>>)
      %add3A_244 = arith.constant 12 : i32
      %add3A_245 = arith.addi %mul3A_35, %add3A_244 : i32
      %dma_wait3A_246 = arith.constant 0 : i32
      %dma_wait3A_247 = arith.constant 0 : i32
      %dma_wait3A_248 = tpu.memref_slice %arg3[%select_n3A, %add3A_245, %dma_wait3A_246, %dma_wait3A_247] : memref<12x128x20x768xf32, #tpu.memory_space<hbm>> -> memref<1x4x20x768xf32, #tpu.memory_space<hbm>>
      %dma_wait3A_249 = tpu.memref_squeeze %dma_wait3A_248 : memref<1x4x20x768xf32, #tpu.memory_space<hbm>> -> memref<4x20x768xf32, #tpu.memory_space<hbm>>
      %dma_wait3A_250 = arith.constant 0 : i32
      %dma_wait3A_251 = arith.constant 0 : i32
      %dma_wait3A_252 = tpu.memref_slice %arg3[%select_n3A, %add3A_245, %dma_wait3A_250, %dma_wait3A_251] : memref<12x128x20x768xf32, #tpu.memory_space<hbm>> -> memref<1x4x20x768xf32, #tpu.memory_space<hbm>>
      %dma_wait3A_253 = tpu.memref_squeeze %dma_wait3A_252 : memref<1x4x20x768xf32, #tpu.memory_space<hbm>> -> memref<4x20x768xf32, #tpu.memory_space<hbm>>
      tpu.wait_dma2 semaphore(%arg6 : memref<!tpu.dma_semaphore, #tpu.memory_space<semaphore_mem>>) src(%arg4 : memref<4x20x768xf32, #tpu.memory_space<vmem>>) dst(%dma_wait3A_253 : memref<4x20x768xf32, #tpu.memory_space<hbm>>)
      %add3A_254 = arith.constant 16 : i32
      %add3A_255 = arith.addi %mul3A_35, %add3A_254 : i32
      %dma_wait3A_256 = arith.constant 0 : i32
      %dma_wait3A_257 = arith.constant 0 : i32
      %dma_wait3A_258 = tpu.memref_slice %arg3[%select_n3A, %add3A_255, %dma_wait3A_256, %dma_wait3A_257] : memref<12x128x20x768xf32, #tpu.memory_space<hbm>> -> memref<1x4x20x768xf32, #tpu.memory_space<hbm>>
      %dma_wait3A_259 = tpu.memref_squeeze %dma_wait3A_258 : memref<1x4x20x768xf32, #tpu.memory_space<hbm>> -> memref<4x20x768xf32, #tpu.memory_space<hbm>>
      %dma_wait3A_260 = arith.constant 0 : i32
      %dma_wait3A_261 = arith.constant 0 : i32
      %dma_wait3A_262 = tpu.memref_slice %arg3[%select_n3A, %add3A_255, %dma_wait3A_260, %dma_wait3A_261] : memref<12x128x20x768xf32, #tpu.memory_space<hbm>> -> memref<1x4x20x768xf32, #tpu.memory_space<hbm>>
      %dma_wait3A_263 = tpu.memref_squeeze %dma_wait3A_262 : memref<1x4x20x768xf32, #tpu.memory_space<hbm>> -> memref<4x20x768xf32, #tpu.memory_space<hbm>>
      tpu.wait_dma2 semaphore(%arg6 : memref<!tpu.dma_semaphore, #tpu.memory_space<semaphore_mem>>) src(%arg4 : memref<4x20x768xf32, #tpu.memory_space<vmem>>) dst(%dma_wait3A_263 : memref<4x20x768xf32, #tpu.memory_space<hbm>>)
      %add3A_264 = arith.constant 20 : i32
      %add3A_265 = arith.addi %mul3A_35, %add3A_264 : i32
      %dma_wait3A_266 = arith.constant 0 : i32
      %dma_wait3A_267 = arith.constant 0 : i32
      %dma_wait3A_268 = tpu.memref_slice %arg3[%select_n3A, %add3A_265, %dma_wait3A_266, %dma_wait3A_267] : memref<12x128x20x768xf32, #tpu.memory_space<hbm>> -> memref<1x4x20x768xf32, #tpu.memory_space<hbm>>
      %dma_wait3A_269 = tpu.memref_squeeze %dma_wait3A_268 : memref<1x4x20x768xf32, #tpu.memory_space<hbm>> -> memref<4x20x768xf32, #tpu.memory_space<hbm>>
      %dma_wait3A_270 = arith.constant 0 : i32
      %dma_wait3A_271 = arith.constant 0 : i32
      %dma_wait3A_272 = tpu.memref_slice %arg3[%select_n3A, %add3A_265, %dma_wait3A_270, %dma_wait3A_271] : memref<12x128x20x768xf32, #tpu.memory_space<hbm>> -> memref<1x4x20x768xf32, #tpu.memory_space<hbm>>
      %dma_wait3A_273 = tpu.memref_squeeze %dma_wait3A_272 : memref<1x4x20x768xf32, #tpu.memory_space<hbm>> -> memref<4x20x768xf32, #tpu.memory_space<hbm>>
      tpu.wait_dma2 semaphore(%arg6 : memref<!tpu.dma_semaphore, #tpu.memory_space<semaphore_mem>>) src(%arg4 : memref<4x20x768xf32, #tpu.memory_space<vmem>>) dst(%dma_wait3A_273 : memref<4x20x768xf32, #tpu.memory_space<hbm>>)
      %add3A_274 = arith.constant 24 : i32
      %add3A_275 = arith.addi %mul3A_35, %add3A_274 : i32
      %dma_wait3A_276 = arith.constant 0 : i32
      %dma_wait3A_277 = arith.constant 0 : i32
      %dma_wait3A_278 = tpu.memref_slice %arg3[%select_n3A, %add3A_275, %dma_wait3A_276, %dma_wait3A_277] : memref<12x128x20x768xf32, #tpu.memory_space<hbm>> -> memref<1x4x20x768xf32, #tpu.memory_space<hbm>>
      %dma_wait3A_279 = tpu.memref_squeeze %dma_wait3A_278 : memref<1x4x20x768xf32, #tpu.memory_space<hbm>> -> memref<4x20x768xf32, #tpu.memory_space<hbm>>
      %dma_wait3A_280 = arith.constant 0 : i32
      %dma_wait3A_281 = arith.constant 0 : i32
      %dma_wait3A_282 = tpu.memref_slice %arg3[%select_n3A, %add3A_275, %dma_wait3A_280, %dma_wait3A_281] : memref<12x128x20x768xf32, #tpu.memory_space<hbm>> -> memref<1x4x20x768xf32, #tpu.memory_space<hbm>>
      %dma_wait3A_283 = tpu.memref_squeeze %dma_wait3A_282 : memref<1x4x20x768xf32, #tpu.memory_space<hbm>> -> memref<4x20x768xf32, #tpu.memory_space<hbm>>
      tpu.wait_dma2 semaphore(%arg6 : memref<!tpu.dma_semaphore, #tpu.memory_space<semaphore_mem>>) src(%arg4 : memref<4x20x768xf32, #tpu.memory_space<vmem>>) dst(%dma_wait3A_283 : memref<4x20x768xf32, #tpu.memory_space<hbm>>)
      %add3A_284 = arith.constant 28 : i32
      %add3A_285 = arith.addi %mul3A_35, %add3A_284 : i32
      %dma_wait3A_286 = arith.constant 0 : i32
      %dma_wait3A_287 = arith.constant 0 : i32
      %dma_wait3A_288 = tpu.memref_slice %arg3[%select_n3A, %add3A_285, %dma_wait3A_286, %dma_wait3A_287] : memref<12x128x20x768xf32, #tpu.memory_space<hbm>> -> memref<1x4x20x768xf32, #tpu.memory_space<hbm>>
      %dma_wait3A_289 = tpu.memref_squeeze %dma_wait3A_288 : memref<1x4x20x768xf32, #tpu.memory_space<hbm>> -> memref<4x20x768xf32, #tpu.memory_space<hbm>>
      %dma_wait3A_290 = arith.constant 0 : i32
      %dma_wait3A_291 = arith.constant 0 : i32
      %dma_wait3A_292 = tpu.memref_slice %arg3[%select_n3A, %add3A_285, %dma_wait3A_290, %dma_wait3A_291] : memref<12x128x20x768xf32, #tpu.memory_space<hbm>> -> memref<1x4x20x768xf32, #tpu.memory_space<hbm>>
      %dma_wait3A_293 = tpu.memref_squeeze %dma_wait3A_292 : memref<1x4x20x768xf32, #tpu.memory_space<hbm>> -> memref<4x20x768xf32, #tpu.memory_space<hbm>>
      tpu.wait_dma2 semaphore(%arg6 : memref<!tpu.dma_semaphore, #tpu.memory_space<semaphore_mem>>) src(%arg4 : memref<4x20x768xf32, #tpu.memory_space<vmem>>) dst(%dma_wait3A_293 : memref<4x20x768xf32, #tpu.memory_space<hbm>>)
      %add3A_294 = arith.constant 32 : i32
      %add3A_295 = arith.addi %mul3A_35, %add3A_294 : i32
      %dma_wait3A_296 = arith.constant 0 : i32
      %dma_wait3A_297 = arith.constant 0 : i32
      %dma_wait3A_298 = tpu.memref_slice %arg3[%select_n3A, %add3A_295, %dma_wait3A_296, %dma_wait3A_297] : memref<12x128x20x768xf32, #tpu.memory_space<hbm>> -> memref<1x4x20x768xf32, #tpu.memory_space<hbm>>
      %dma_wait3A_299 = tpu.memref_squeeze %dma_wait3A_298 : memref<1x4x20x768xf32, #tpu.memory_space<hbm>> -> memref<4x20x768xf32, #tpu.memory_space<hbm>>
      %dma_wait3A_300 = arith.constant 0 : i32
      %dma_wait3A_301 = arith.constant 0 : i32
      %dma_wait3A_302 = tpu.memref_slice %arg3[%select_n3A, %add3A_295, %dma_wait3A_300, %dma_wait3A_301] : memref<12x128x20x768xf32, #tpu.memory_space<hbm>> -> memref<1x4x20x768xf32, #tpu.memory_space<hbm>>
      %dma_wait3A_303 = tpu.memref_squeeze %dma_wait3A_302 : memref<1x4x20x768xf32, #tpu.memory_space<hbm>> -> memref<4x20x768xf32, #tpu.memory_space<hbm>>
      tpu.wait_dma2 semaphore(%arg6 : memref<!tpu.dma_semaphore, #tpu.memory_space<semaphore_mem>>) src(%arg4 : memref<4x20x768xf32, #tpu.memory_space<vmem>>) dst(%dma_wait3A_303 : memref<4x20x768xf32, #tpu.memory_space<hbm>>)
      %add3A_304 = arith.constant 36 : i32
      %add3A_305 = arith.addi %mul3A_35, %add3A_304 : i32
      %dma_wait3A_306 = arith.constant 0 : i32
      %dma_wait3A_307 = arith.constant 0 : i32
      %dma_wait3A_308 = tpu.memref_slice %arg3[%select_n3A, %add3A_305, %dma_wait3A_306, %dma_wait3A_307] : memref<12x128x20x768xf32, #tpu.memory_space<hbm>> -> memref<1x4x20x768xf32, #tpu.memory_space<hbm>>
      %dma_wait3A_309 = tpu.memref_squeeze %dma_wait3A_308 : memref<1x4x20x768xf32, #tpu.memory_space<hbm>> -> memref<4x20x768xf32, #tpu.memory_space<hbm>>
      %dma_wait3A_310 = arith.constant 0 : i32
      %dma_wait3A_311 = arith.constant 0 : i32
      %dma_wait3A_312 = tpu.memref_slice %arg3[%select_n3A, %add3A_305, %dma_wait3A_310, %dma_wait3A_311] : memref<12x128x20x768xf32, #tpu.memory_space<hbm>> -> memref<1x4x20x768xf32, #tpu.memory_space<hbm>>
      %dma_wait3A_313 = tpu.memref_squeeze %dma_wait3A_312 : memref<1x4x20x768xf32, #tpu.memory_space<hbm>> -> memref<4x20x768xf32, #tpu.memory_space<hbm>>
      tpu.wait_dma2 semaphore(%arg6 : memref<!tpu.dma_semaphore, #tpu.memory_space<semaphore_mem>>) src(%arg4 : memref<4x20x768xf32, #tpu.memory_space<vmem>>) dst(%dma_wait3A_313 : memref<4x20x768xf32, #tpu.memory_space<hbm>>)
      %add3A_314 = arith.constant 40 : i32
      %add3A_315 = arith.addi %mul3A_35, %add3A_314 : i32
      %dma_wait3A_316 = arith.constant 0 : i32
      %dma_wait3A_317 = arith.constant 0 : i32
      %dma_wait3A_318 = tpu.memref_slice %arg3[%select_n3A, %add3A_315, %dma_wait3A_316, %dma_wait3A_317] : memref<12x128x20x768xf32, #tpu.memory_space<hbm>> -> memref<1x4x20x768xf32, #tpu.memory_space<hbm>>
      %dma_wait3A_319 = tpu.memref_squeeze %dma_wait3A_318 : memref<1x4x20x768xf32, #tpu.memory_space<hbm>> -> memref<4x20x768xf32, #tpu.memory_space<hbm>>
      %dma_wait3A_320 = arith.constant 0 : i32
      %dma_wait3A_321 = arith.constant 0 : i32
      %dma_wait3A_322 = tpu.memref_slice %arg3[%select_n3A, %add3A_315, %dma_wait3A_320, %dma_wait3A_321] : memref<12x128x20x768xf32, #tpu.memory_space<hbm>> -> memref<1x4x20x768xf32, #tpu.memory_space<hbm>>
      %dma_wait3A_323 = tpu.memref_squeeze %dma_wait3A_322 : memref<1x4x20x768xf32, #tpu.memory_space<hbm>> -> memref<4x20x768xf32, #tpu.memory_space<hbm>>
      tpu.wait_dma2 semaphore(%arg6 : memref<!tpu.dma_semaphore, #tpu.memory_space<semaphore_mem>>) src(%arg4 : memref<4x20x768xf32, #tpu.memory_space<vmem>>) dst(%dma_wait3A_323 : memref<4x20x768xf32, #tpu.memory_space<hbm>>)
      %add3A_324 = arith.constant 44 : i32
      %add3A_325 = arith.addi %mul3A_35, %add3A_324 : i32
      %dma_wait3A_326 = arith.constant 0 : i32
      %dma_wait3A_327 = arith.constant 0 : i32
      %dma_wait3A_328 = tpu.memref_slice %arg3[%select_n3A, %add3A_325, %dma_wait3A_326, %dma_wait3A_327] : memref<12x128x20x768xf32, #tpu.memory_space<hbm>> -> memref<1x4x20x768xf32, #tpu.memory_space<hbm>>
      %dma_wait3A_329 = tpu.memref_squeeze %dma_wait3A_328 : memref<1x4x20x768xf32, #tpu.memory_space<hbm>> -> memref<4x20x768xf32, #tpu.memory_space<hbm>>
      %dma_wait3A_330 = arith.constant 0 : i32
      %dma_wait3A_331 = arith.constant 0 : i32
      %dma_wait3A_332 = tpu.memref_slice %arg3[%select_n3A, %add3A_325, %dma_wait3A_330, %dma_wait3A_331] : memref<12x128x20x768xf32, #tpu.memory_space<hbm>> -> memref<1x4x20x768xf32, #tpu.memory_space<hbm>>
      %dma_wait3A_333 = tpu.memref_squeeze %dma_wait3A_332 : memref<1x4x20x768xf32, #tpu.memory_space<hbm>> -> memref<4x20x768xf32, #tpu.memory_space<hbm>>
      tpu.wait_dma2 semaphore(%arg6 : memref<!tpu.dma_semaphore, #tpu.memory_space<semaphore_mem>>) src(%arg4 : memref<4x20x768xf32, #tpu.memory_space<vmem>>) dst(%dma_wait3A_333 : memref<4x20x768xf32, #tpu.memory_space<hbm>>)
      %add3A_334 = arith.constant 48 : i32
      %add3A_335 = arith.addi %mul3A_35, %add3A_334 : i32
      %dma_wait3A_336 = arith.constant 0 : i32
      %dma_wait3A_337 = arith.constant 0 : i32
      %dma_wait3A_338 = tpu.memref_slice %arg3[%select_n3A, %add3A_335, %dma_wait3A_336, %dma_wait3A_337] : memref<12x128x20x768xf32, #tpu.memory_space<hbm>> -> memref<1x4x20x768xf32, #tpu.memory_space<hbm>>
      %dma_wait3A_339 = tpu.memref_squeeze %dma_wait3A_338 : memref<1x4x20x768xf32, #tpu.memory_space<hbm>> -> memref<4x20x768xf32, #tpu.memory_space<hbm>>
      %dma_wait3A_340 = arith.constant 0 : i32
      %dma_wait3A_341 = arith.constant 0 : i32
      %dma_wait3A_342 = tpu.memref_slice %arg3[%select_n3A, %add3A_335, %dma_wait3A_340, %dma_wait3A_341] : memref<12x128x20x768xf32, #tpu.memory_space<hbm>> -> memref<1x4x20x768xf32, #tpu.memory_space<hbm>>
      %dma_wait3A_343 = tpu.memref_squeeze %dma_wait3A_342 : memref<1x4x20x768xf32, #tpu.memory_space<hbm>> -> memref<4x20x768xf32, #tpu.memory_space<hbm>>
      tpu.wait_dma2 semaphore(%arg6 : memref<!tpu.dma_semaphore, #tpu.memory_space<semaphore_mem>>) src(%arg4 : memref<4x20x768xf32, #tpu.memory_space<vmem>>) dst(%dma_wait3A_343 : memref<4x20x768xf32, #tpu.memory_space<hbm>>)
      %add3A_344 = arith.constant 52 : i32
      %add3A_345 = arith.addi %mul3A_35, %add3A_344 : i32
      %dma_wait3A_346 = arith.constant 0 : i32
      %dma_wait3A_347 = arith.constant 0 : i32
      %dma_wait3A_348 = tpu.memref_slice %arg3[%select_n3A, %add3A_345, %dma_wait3A_346, %dma_wait3A_347] : memref<12x128x20x768xf32, #tpu.memory_space<hbm>> -> memref<1x4x20x768xf32, #tpu.memory_space<hbm>>
      %dma_wait3A_349 = tpu.memref_squeeze %dma_wait3A_348 : memref<1x4x20x768xf32, #tpu.memory_space<hbm>> -> memref<4x20x768xf32, #tpu.memory_space<hbm>>
      %dma_wait3A_350 = arith.constant 0 : i32
      %dma_wait3A_351 = arith.constant 0 : i32
      %dma_wait3A_352 = tpu.memref_slice %arg3[%select_n3A, %add3A_345, %dma_wait3A_350, %dma_wait3A_351] : memref<12x128x20x768xf32, #tpu.memory_space<hbm>> -> memref<1x4x20x768xf32, #tpu.memory_space<hbm>>
      %dma_wait3A_353 = tpu.memref_squeeze %dma_wait3A_352 : memref<1x4x20x768xf32, #tpu.memory_space<hbm>> -> memref<4x20x768xf32, #tpu.memory_space<hbm>>
      tpu.wait_dma2 semaphore(%arg6 : memref<!tpu.dma_semaphore, #tpu.memory_space<semaphore_mem>>) src(%arg4 : memref<4x20x768xf32, #tpu.memory_space<vmem>>) dst(%dma_wait3A_353 : memref<4x20x768xf32, #tpu.memory_space<hbm>>)
      %add3A_354 = arith.constant 56 : i32
      %add3A_355 = arith.addi %mul3A_35, %add3A_354 : i32
      %dma_wait3A_356 = arith.constant 0 : i32
      %dma_wait3A_357 = arith.constant 0 : i32
      %dma_wait3A_358 = tpu.memref_slice %arg3[%select_n3A, %add3A_355, %dma_wait3A_356, %dma_wait3A_357] : memref<12x128x20x768xf32, #tpu.memory_space<hbm>> -> memref<1x4x20x768xf32, #tpu.memory_space<hbm>>
      %dma_wait3A_359 = tpu.memref_squeeze %dma_wait3A_358 : memref<1x4x20x768xf32, #tpu.memory_space<hbm>> -> memref<4x20x768xf32, #tpu.memory_space<hbm>>
      %dma_wait3A_360 = arith.constant 0 : i32
      %dma_wait3A_361 = arith.constant 0 : i32
      %dma_wait3A_362 = tpu.memref_slice %arg3[%select_n3A, %add3A_355, %dma_wait3A_360, %dma_wait3A_361] : memref<12x128x20x768xf32, #tpu.memory_space<hbm>> -> memref<1x4x20x768xf32, #tpu.memory_space<hbm>>
      %dma_wait3A_363 = tpu.memref_squeeze %dma_wait3A_362 : memref<1x4x20x768xf32, #tpu.memory_space<hbm>> -> memref<4x20x768xf32, #tpu.memory_space<hbm>>
      tpu.wait_dma2 semaphore(%arg6 : memref<!tpu.dma_semaphore, #tpu.memory_space<semaphore_mem>>) src(%arg4 : memref<4x20x768xf32, #tpu.memory_space<vmem>>) dst(%dma_wait3A_363 : memref<4x20x768xf32, #tpu.memory_space<hbm>>)
      %add3A_364 = arith.constant 60 : i32
      %add3A_365 = arith.addi %mul3A_35, %add3A_364 : i32
      %dma_wait3A_366 = arith.constant 0 : i32
      %dma_wait3A_367 = arith.constant 0 : i32
      %dma_wait3A_368 = tpu.memref_slice %arg3[%select_n3A, %add3A_365, %dma_wait3A_366, %dma_wait3A_367] : memref<12x128x20x768xf32, #tpu.memory_space<hbm>> -> memref<1x4x20x768xf32, #tpu.memory_space<hbm>>
      %dma_wait3A_369 = tpu.memref_squeeze %dma_wait3A_368 : memref<1x4x20x768xf32, #tpu.memory_space<hbm>> -> memref<4x20x768xf32, #tpu.memory_space<hbm>>
      %dma_wait3A_370 = arith.constant 0 : i32
      %dma_wait3A_371 = arith.constant 0 : i32
      %dma_wait3A_372 = tpu.memref_slice %arg3[%select_n3A, %add3A_365, %dma_wait3A_370, %dma_wait3A_371] : memref<12x128x20x768xf32, #tpu.memory_space<hbm>> -> memref<1x4x20x768xf32, #tpu.memory_space<hbm>>
      %dma_wait3A_373 = tpu.memref_squeeze %dma_wait3A_372 : memref<1x4x20x768xf32, #tpu.memory_space<hbm>> -> memref<4x20x768xf32, #tpu.memory_space<hbm>>
      tpu.wait_dma2 semaphore(%arg6 : memref<!tpu.dma_semaphore, #tpu.memory_space<semaphore_mem>>) src(%arg4 : memref<4x20x768xf32, #tpu.memory_space<vmem>>) dst(%dma_wait3A_373 : memref<4x20x768xf32, #tpu.memory_space<hbm>>)
    } else {
    }
    return
  }
}

module attributes {stable_mosaic.version = 14 : i64} {
  func.func @_stage_kernel(%arg0: i32, %arg1: memref<1xi32, #tpu.memory_space<smem>>, %arg2: memref<12x50x20x768xf32, #tpu.memory_space<any>>, %arg3: memref<12x4x20x768xf32, #tpu.memory_space<any>>, %arg4: memref<12x20x768xf32, #tpu.memory_space<vmem>>, %arg5: memref<12x4x20x768xf32, #tpu.memory_space<vmem>>, %arg6: memref<!tpu.dma_semaphore, #tpu.memory_space<semaphore_mem>>, %arg7: memref<!tpu.dma_semaphore, #tpu.memory_space<semaphore_mem>>) attributes {dimension_semantics = [#tpu.dimension_semantics<arbitrary>], iteration_bounds = array<i64: 1>, scalar_prefetch = 1 : i64, scratch_operands = 4 : i64, tpu.core_type = #tpu.core_type<tc>, window_params = [{}, {}]} {
    %get3A = arith.constant 0 : index
    %get3A_0 = memref.load %arg1[%get3A] : memref<1xi32, #tpu.memory_space<smem>>
    %dma_start3A = arith.constant 0 : i32
    %dma_start3A_1 = arith.constant 0 : i32
    %dma_start3A_2 = arith.constant 0 : i32
    %dma_start3A_3 = tpu.memref_slice %arg2[%dma_start3A, %get3A_0, %dma_start3A_1, %dma_start3A_2] : memref<12x50x20x768xf32, #tpu.memory_space<any>> -> memref<12x1x20x768xf32, #tpu.memory_space<any>>
    %dma_start3A_4 = tpu.memref_squeeze %dma_start3A_3 : memref<12x1x20x768xf32, #tpu.memory_space<any>> -> memref<12x20x768xf32, #tpu.memory_space<any>>
    tpu.enqueue_dma source(%dma_start3A_4 : memref<12x20x768xf32, #tpu.memory_space<any>>) target(%arg4 : memref<12x20x768xf32, #tpu.memory_space<vmem>>) target_semaphore(%arg6 : memref<!tpu.dma_semaphore, #tpu.memory_space<semaphore_mem>>)
    %dma_wait3A = arith.constant 0 : i32
    %dma_wait3A_5 = arith.constant 0 : i32
    %dma_wait3A_6 = arith.constant 0 : i32
    %dma_wait3A_7 = tpu.memref_slice %arg2[%dma_wait3A, %get3A_0, %dma_wait3A_5, %dma_wait3A_6] : memref<12x50x20x768xf32, #tpu.memory_space<any>> -> memref<12x1x20x768xf32, #tpu.memory_space<any>>
    %dma_wait3A_8 = tpu.memref_squeeze %dma_wait3A_7 : memref<12x1x20x768xf32, #tpu.memory_space<any>> -> memref<12x20x768xf32, #tpu.memory_space<any>>
    tpu.wait_dma2 semaphore(%arg6 : memref<!tpu.dma_semaphore, #tpu.memory_space<semaphore_mem>>) src(%dma_wait3A_8 : memref<12x20x768xf32, #tpu.memory_space<any>>) dst(%arg4 : memref<12x20x768xf32, #tpu.memory_space<vmem>>)
    %get3A_9 = arith.constant 0 : index
    %get3A_10 = arith.constant 0 : index
    %get3A_11 = arith.constant 0 : index
    %get3A_12 = vector.load %arg4[%get3A_9, %get3A_10, %get3A_11] : memref<12x20x768xf32, #tpu.memory_space<vmem>>, vector<12x20x768xf32>
    %broadcast_in_dim3A = vector.shape_cast %get3A_12 : vector<12x20x768xf32> to vector<12x1x20x768xf32>
    %broadcast_in_dim3A_13 = vector.shape_cast %broadcast_in_dim3A : vector<12x1x20x768xf32> to vector<12x1x20x768xf32>
    %broadcast_in_dim3A_14 = vector.broadcast %broadcast_in_dim3A_13 : vector<12x1x20x768xf32> to vector<12x4x20x768xf32>
    %swap3A = arith.constant 0 : index
    %swap3A_15 = arith.constant 0 : index
    %swap3A_16 = arith.constant 0 : index
    %swap3A_17 = arith.constant 0 : index
    %swap3A_18 = vector.load %arg5[%swap3A, %swap3A_15, %swap3A_16, %swap3A_17] : memref<12x4x20x768xf32, #tpu.memory_space<vmem>>, vector<12x4x20x768xf32>
    tpu.vector_store %arg5[%swap3A, %swap3A_15, %swap3A_16, %swap3A_17], %broadcast_in_dim3A_14 {strides = array<i32>} : memref<12x4x20x768xf32, #tpu.memory_space<vmem>>, vector<12x4x20x768xf32>,
    tpu.enqueue_dma source(%arg5 : memref<12x4x20x768xf32, #tpu.memory_space<vmem>>) target(%arg3 : memref<12x4x20x768xf32, #tpu.memory_space<any>>) target_semaphore(%arg7 : memref<!tpu.dma_semaphore, #tpu.memory_space<semaphore_mem>>)
    tpu.wait_dma2 semaphore(%arg7 : memref<!tpu.dma_semaphore, #tpu.memory_space<semaphore_mem>>) src(%arg5 : memref<12x4x20x768xf32, #tpu.memory_space<vmem>>) dst(%arg3 : memref<12x4x20x768xf32, #tpu.memory_space<any>>)
    return
  }
}

</mosaic_0001>

<sc_bundles>
// kernel: kernel.4.cloned.1.call-start
scs
__scs_entry_jumppad:
0x0: {  	(pc) =	sbr.rel $0x88, $3  }
0x1: {  	(tag) =	ssettag $0x0;
	lr =	simm.s32 $0x1  }
0x2: {  	[smem:$0x3F9F] =	sst lr;
	_ =	strace $0xD0000000  }
0x3: {  	_ = 	snop  }
0x4: {  	_ = 	snop  }
0x5: {  	_ = 	snop  }
0x6: {  	_ = 	snop  }
0x7: {  	_ = 	snop  }
__scs_overlays_trampoline_lowered:
0x8: {  	[smem:$0x3FAE] =	sst s0  }
0x9: {  	[smem:$0x3FAF] =	sst s1  }
0xa: {  	[smem:$0x3FB0] =	sst s2  }
0xb: {  	[smem:$0x3FB1] =	sst s3  }
0xc: {  	[smem:$0x3FB2] =	sst s4  }
0xd: {  	[smem:$0x3FB3] =	sst s5  }
0xe: {  	[smem:$0x3FB4] =	sst s6  }
0xf: {  	[smem:$0x3FB5] =	sst s7  }
0x10: {  	[smem:$0x3FB6] =	sst s8  }
0x11: {  	[smem:$0x3FB7] =	sst s9;
	s0 =	simm.s32 @!p0 $0x0  }
0x12: {  	s1 =	sld [smem:$0x3F9D];
	s0 =	simm.s32 @p0 $0x1  }
0x13: {  	[smem:$0x3FB8] =	sst s0;
	s0 =	simm.s32 @!p1 $0x0  }
0x14: {  	s2 =	sld [smem:$0x3F9C];
	s0 =	simm.s32 @p1 $0x1  }
0x15: {  	[smem:$0x3FB9] =	sst s0;
	s0 =	simm.s32 @!p2 $0x0  }
0x16: {  	s3 =	sld [smem:$0x3FDB];
	s0 =	simm.s32 @p2 $0x1  }
0x17: {  	s4 =	simm.s32 $0x1BF5;
	[smem:$0x3FBB] =	sst s0  }
0x18: {  	s0 =	sld [smem:$0x3F9E];
	_ =	swait.ge [sflag:s4], $0x0  }
0x19: {  	s7 =	sld [smem:$0x3F9F]  }
0x1a: {  	s8 =	sadd.s32 $0xFFFFE003, lr  }
0x1b: {  	s9 =	sadd.s32 $0xFFFFFEF7, lr;
	s5 =	simm.s32 $0xFFFFFFFF;
	p2 =	slt.u32 s8, $0xFFFFF086  }
0x1c: {  	p1 =	slt.u32 s9, $0xF7A;
	s5 =	simm.s32 @!p2 $0x0  }
0x1d: {  	s5 =	simm.s32 @p1 $0x1;
	p0 =	seq.s32 s7, s2  }
0x1e: {  	s7 =	smul.u32 @!p0 $0xF7A, s2;
	p2 =	seq.s32 @!p0 s5, $0x0  }
0x1f: {  	s9 =	smul.u32 $0xF7A, s1;
	s8 =	simm.s32 @!p0 $0x1BF5;
	p2 =	por !p2, p0  }
0x20: {  	[sflag:s8] =	ssyncset.s32 @!p0 $0xFFFFF086;
	s6 =	sadd.s32 @!p0 s3, s7;
	s7 =	simm.s32 @!p0 $0x108  }
0x21: {  	s3 =	sadd.s32 s3, s9;
	s6 =	sadd.s32 @!p0 $0x88, s6;
	s7 =	simm.s32 @p2 $0x1082  }
0x22: {  	[simem:s7], [sflag:s8] =	dma.local @!p0 [hbm:s6], $0xF7A  }
0x23: {  	s9 =	sor.u32 $0xD0000000, s2;
	s6 =	simm.s32 $0x108;
	_ =	swait.ge @!p0 [sflag:s8], $0x0  }
0x24: {  	s3 =	sadd.s32 $0x88, s3;
	s6 =	simm.s32 @!p1 $0x1082;
	[sflag:s4] =	ssyncset.s32 $0xFFFFF086  }
0x25: {  	[simem:s6], [sflag:s4] =	dma.local [hbm:s3], $0xF7A  }
0x26: {  	[smem:$0x3F9F] =	sst s1;
	(tag) =	ssettag s2;
	_ =	strace s9  }
0x27: {  	s1 =	sld [smem:$0x3FAF]  }
0x28: {  	s2 =	sld [smem:$0x3FB0]  }
0x29: {  	s4 =	sld [smem:$0x3FB2]  }
0x2a: {  	p0 =	seq.s32 s5, $0x0;
	s5 =	sld [smem:$0x3FB3]  }
0x2b: {  	s6 =	sld [smem:$0x3FB4]  }
0x2c: {  	s7 =	sld [smem:$0x3FB5]  }
0x2d: {  	s3 =	simm.s32 $0x108;
	s8 =	sld [smem:$0x3FB6]  }
0x2e: {  	s3 =	simm.s32 @!p0 $0x1082;
	s9 =	sld [smem:$0x3FB7]  }
0x2f: {  	lr =	sadd.s32 s0, s3;
	s0 =	sld [smem:$0x3FAE]  }
0x30: {  	s3 =	sld [smem:$0x3FB1]  }
0x31: {  	[smem:$0x3FBA] =	sst s10  }
0x32: {  	s10 =	sld [smem:$0x3FB8];
	_ =	sdelay $0x3  }
0x33: {  	p0 =	seq.s32 s10, $0x1;
	s10 =	sld [smem:$0x3FBA];
	_ =	sdelay $0x3  }
0x34: {  	[smem:$0x3FBA] =	sst s10  }
0x35: {  	s10 =	sld [smem:$0x3FB9];
	_ =	sdelay $0x3  }
0x36: {  	p1 =	seq.s32 s10, $0x1;
	s10 =	sld [smem:$0x3FBA];
	_ =	sdelay $0x3  }
0x37: {  	[smem:$0x3FBA] =	sst s10  }
0x38: {  	s10 =	sld [smem:$0x3FBB]  }
0x39: {  	_ = 	snop;
	(pc) =	sbr.ind lr, $3  }
0x3a: {  	_ = 	snop  }
0x3b: {  	_ = 	snop  }
0x3c: {  	p2 =	seq.s32 s10, $0x1;
	s10 =	sld [smem:$0x3FBA]  }
0x3d: {  	_ =	shalt  }
0x3e: {  	_ =	shalt  }
0x3f: {  	_ =	shalt  }
0x40: {  	_ =	shalt  }
0x41: {  	_ =	shalt  }
0x42: {  	_ =	shalt  }
0x43: {  	_ =	shalt  }
0x44: {  	_ =	shalt  }
0x45: {  	_ =	shalt  }
0x46: {  	_ =	shalt  }
0x47: {  	_ =	shalt  }
0x48: {  	_ =	shalt  }
0x49: {  	_ =	shalt  }
0x4a: {  	_ =	shalt  }
0x4b: {  	_ =	shalt  }
0x4c: {  	_ =	shalt  }
0x4d: {  	_ =	shalt  }
0x4e: {  	_ =	shalt  }
0x4f: {  	_ =	shalt  }
0x50: {  	_ =	shalt  }
0x51: {  	_ =	shalt  }
0x52: {  	_ =	shalt  }
0x53: {  	_ =	shalt  }
0x54: {  	_ =	shalt  }
0x55: {  	_ =	shalt  }
0x56: {  	_ =	shalt  }
0x57: {  	_ =	shalt  }
0x58: {  	_ =	shalt  }
0x59: {  	_ =	shalt  }
0x5a: {  	_ =	shalt  }
0x5b: {  	_ =	shalt  }
0x5c: {  	_ =	shalt  }
0x5d: {  	_ =	shalt  }
0x5e: {  	_ =	shalt  }
0x5f: {  	_ =	shalt  }
0x60: {  	_ =	shalt  }
0x61: {  	_ =	shalt  }
0x62: {  	_ =	shalt  }
0x63: {  	_ =	shalt  }
0x64: {  	_ =	shalt  }
0x65: {  	_ =	shalt  }
0x66: {  	_ =	shalt  }
0x67: {  	_ =	shalt  }
0x68: {  	_ =	shalt  }
0x69: {  	_ =	shalt  }
0x6a: {  	_ =	shalt  }
0x6b: {  	_ =	shalt  }
0x6c: {  	_ =	shalt  }
0x6d: {  	_ =	shalt  }
0x6e: {  	_ =	shalt  }
0x6f: {  	_ =	shalt  }
0x70: {  	_ =	shalt  }
0x71: {  	_ =	shalt  }
0x72: {  	_ =	shalt  }
0x73: {  	_ =	shalt  }
0x74: {  	_ =	shalt  }
0x75: {  	_ =	shalt  }
0x76: {  	_ =	shalt  }
0x77: {  	_ =	shalt  }
0x78: {  	_ =	shalt  }
0x79: {  	_ =	shalt  }
0x7a: {  	_ =	shalt  }
0x7b: {  	_ =	shalt  }
0x7c: {  	_ =	shalt  }
0x7d: {  	_ =	shalt  }
0x7e: {  	_ =	shalt  }
0x7f: {  	_ =	shalt  }
0x80: {  	_ =	shalt  }
0x81: {  	_ =	shalt  }
0x82: {  	_ =	shalt  }
0x83: {  	_ =	shalt  }
0x84: {  	_ =	shalt  }
0x85: {  	_ =	shalt  }
0x86: {  	_ =	shalt  }
0x87: {  	_ =	shalt  }
.Lfunc_end0:
.L_simem_size_0:
called_computation_lowered:
.L_overlay_start_0:
0x88: {  	s2 =	sld [smem:$0x3FD9]  }
0x89: {  	s3 =	sld [smem:$0x3FFE];
	_ =	sdelay $0x1  }
0x8a: {  	s1 =	srdreg.scid  }
0x8b: {  	s0 =	sand.u32 $0x1, s1  }
0x8c: {  	s17 =	sshll.u32 s0, $0xA;
	s2 =	sadd.s32 s3, s2  }
0x8d: {  	s2 =	sadd.s32 s2, s17  }
0x8e: {  	[smem:$0x3FC6] =	sst s2  }
0x8f: {  	_ = 	snop  }
0x90: {  	s2 =	sld [smem:$0x3FD0];
	(tm) =	ssettm $0x1  }
0x91: {  	s18 =	sld [smem:$0x3FFB];
	_ =	sdelay $0x3  }
0x92: {  	_ =	strace s18  }
0x93: {  	s3 =	sld [smem:$0x3FFC];
	_ =	sdelay $0x3  }
0x94: {  	_ =	strace s3  }
0x95: {  	s3 =	sld [smem:$0x3FFD];
	_ =	sdelay $0x3  }
0x96: {  	_ =	strace s3  }
0x97: {  	_ =	strace $0x8FFFFFFF  }
0x98: {  	s19 =	sld [smem:$0x3FDB];
	_ =	sdelay $0x1  }
0x99: {  	s4 =	simm.s32 $_scs_section_size  }
0x9a: {  	s5 =	simm.s32 $_size__tile_overlayer_lowered;
	s6 =	simm.s32 $_tile_overlayer_lowered  }
0x9b: {  	s22 =	simm.s32 $0x1BFF;
	s21 =	sshll.u32 s6, $0x1;
	s3 =	sadd.s32 s4, s19  }
0x9c: {  	s7 =	simm.s32 $0x0;
	s20 =	sshll.u32 s5, $0x1;
	s5 =	sadd.s32 s21, s3  }
0x9d: {  	[timem:s7], [sflag:s22] =	dma.local [hbm:s5], s20  }
0x9e: {  	_ =	swait.ge [sflag:s22], s20  }
0x9f: {  	s4 =	ssub.s32 $0x0, s20;
	[sflag:s22] =	ssyncset.done $0x0  }
0xa0: {  	[sflag:s22] =	ssyncadd.s32 s4;
	_ =	sdelay $0x1  }
0xa1: {  	s23 =	simm.s32 $0x1B8B  }
0xa2: {  	_ =	swait.ge [sflag:s23], $0x1  }
0xa3: {  	[sflag:s23] =	ssyncset.done $0x0  }
0xa4: {  	s25 =	simm.s32 $0x1B8E;
	s24 =	sld [smem:$0x3FFE];
	[sflag:s23] =	ssyncadd.s32 $0xFFFFFFFF  }
0xa5: {  	s26 =	simm.s32 $execute0_lowered;
	[smem:$0x3FD2] =	sst s25  }
0xa6: {  	s5 =	sshll.u32 s26, $0x1;
	_ =	strace $0x80000046;
	[dreg:$0x1] =	wrdreg $0xFFFFFFFF  }
0xa7: {  	s28 =	simm.s32 $_size_execute0_lowered;
	s3 =	sadd.s32 s3, s5;
	[dreg:$0x0] =	wrdreg $0x0  }
0xa8: {  	s5 =	sshll.u32 s28, $0x1;
	[dreg:$0x2] =	wrdreg s3  }
0xa9: {  	[dreg:$0x3] =	wrdreg s5  }
0xaa: {  	[dreg:$0x4] =	wrdreg $0xC0  }
0xab: {  	_ =	task [dreg:s7], $0x5FFFF  }
0xac: {  	[dreg:$0x1] =	wrdreg $0xFFFFFFFF  }
0xad: {  	[dreg:$0x0] =	wrdreg $0x60  }
0xae: {  	[dreg:$0x2] =	wrdreg s2  }
0xaf: {  	[dreg:$0x3] =	wrdreg s24  }
0xb0: {  	[dreg:$0x4] =	wrdreg $0x9  }
0xb1: {  	_ =	task.clear_ibuf [dreg:s7], $0x5FFFF;
	_ =	strace $0x90000046  }
0xb2: {  	s29 =	simm.s32 $0x9;
	_ =	strace $0x80000048  }
0xb3: {  	_ =	swait.ge [sflag:s29], $0x1  }
0xb4: {  	[sflag:s29] =	ssyncadd.s32 $0xFFFFFFFF  }
0xb5: {  	_ =	strace $0x90000048  }
0xb6: {  	_ =	sfence  }
0xb7: {  	s30 =	sld [smem:$0x0];
	_ =	sdelay $0x2  }
0xb8: {  	s31 =	sshll.u32 s1, $0xD;
	s1 =	sshrl.u32 s1, $0x2  }
0xb9: {  	s3 =	sand.u32 $0x4000, s31;
	s1 =	sadd.s32 s1, s30  }
0xba: {  	s0 =	sor.u32 s3, s0;
	s1 =	sshll.u32 s1, $0x11  }
0xbb: {  	s0 =	sor.u32 s1, s0  }
0xbc: {  	s0 =	sadd.s32 $0x8F2B, s0  }
0xbd: {  	[sflag:s0] =	ssyncadd.remote.s32 $0x1  }
0xbe: {  	_ =	sfence.sel $0xFFFF  }
0xbf: {  	[dreg:$0x0] =	wrdreg $0xFFFFFFFF;
	(pc) =	sbr.abs _section_cstart, $3  }
0xc0: {  	[dreg:$0x1] =	wrdreg $0xFFFFFFFF  }
0xc1: {  	_ =	task.clear_ibuf [dreg:s7], $0x2FFFF;
	_ =	strace $0x9FFFFFFF  }
0xc2: {  	(tm) =	ssettm $0x7FFFFFFF  }
0xc3: {  	_ =	shalt  }
tec
execute0_lowered:
.L_overlay_start_1:
0x0: {  	(tag) =	ssettag $0x1  }
0x1: {  	s1 =	stileid.u32  }
0x2: {  	p0 =	sgt.u32 s1, $0xB  }
.Ltmp0:
0x3: {  	_ = 	snop;
	(pc) =	sbr.rel @p0 .LBB2_4-.Ltmp0, $4  }
0x4: {  	s4 =	rddreg [dreg:$0x0]  }
0x5: {  	s5 =	rddreg [dreg:$0x1];
	s2 =	simm.s32 $0x0  }
0x6: {  	[smem:$0x7FF] =	sst s2  }
0x7: {  	s0 =	rddreg [dreg:$0x2];
	_ =	strace $0x80000047  }
0x8: {  	s3 =	srdreg.scid  }
0x9: {  	s22 =	sand.u32 $0x1, s3  }
0xa: {  	s3 =	sor.u32 s22, s1  }
0xb: {  	p1 =	seq.s32 s22, $0x1;
	p0 =	seq.s32 s3, $0x0  }
0xc: {  	p0 =	por !p0, !p1  }
0xd: {  	s3 =	simm.s32 $0x1;
	p0 =	por !p0, !p0  }
0xe: {  	s3 =	simm.s32 @!p0 $0x0  }
0xf: {  	s3 =	ssub.s32 s1, s3  }
0x10: {  	s6 =	smul.u32 $0x12000, s3;
	_ =	sdelay $0x1  }
0x11: {  	s8 =	smul.u32 $0x120000, s22;
	s6 =	sshrl.u32 s6, $0x3  }
0x12: {  	s7 =	smul.u32 $0x240000, s3;
	s3 =	simm.s32 $0x1;
	s4 =	sadd.s32 s4, s6  }
0x13: {  	[tilespmem:s2], [sflag:$0x1] =	stream.linear.gather [hbm4b:s4+s2], $0x12000, $0x38;
	[tilespmem:$0x12000] =	vst v63  }
0x14: {  	s19 =	sadd.s32 s8, s7;
	_ =	swait.ge [sflag:s3], $0x12000  }
0x15: {  	s20 =	sadd.s32 $0x600, s5;
	s29 =	sshrl.u32 s19, $0x3;
	[sflag:s3] =	ssyncset.done $0x0  }
0x16: {  	s7 =	sadd.s32 $0x24000, s19;
	s5 =	sadd.s32 s20, s29;
	[sflag:s3] =	ssyncadd.s32 $0xFFFEE000  }
0x17: {  	[hbm4b:s5+s2] =	stream.linear.scatter [tilespmem:s2], [sflag:$0x2], $0x12000, $0x38;
	[tilespmem:$0x12000] =	vst v63  }
0x18: {  	s8 =	sadd.s32 $0x36000, s19;
	s7 =	sshrl.u32 s7, $0x3;
	s6 =	sadd.s32 $0x2400, s5  }
0x19: {  	[hbm4b:s6+s2] =	stream.linear.scatter [tilespmem:s2], [sflag:$0x2], $0x12000, $0x38;
	[tilespmem:$0x12000] =	vst v63  }
0x1a: {  	s9 =	sadd.s32 $0x48000, s19;
	s8 =	sshrl.u32 s8, $0x3;
	s7 =	sadd.s32 s20, s7  }
0x1b: {  	[hbm4b:s7+s2] =	stream.linear.scatter [tilespmem:s2], [sflag:$0x2], $0x12000, $0x38;
	[tilespmem:$0x12000] =	vst v63  }
0x1c: {  	s10 =	sadd.s32 $0x5A000, s19;
	s9 =	sshrl.u32 s9, $0x3;
	s8 =	sadd.s32 s20, s8  }
0x1d: {  	[hbm4b:s8+s2] =	stream.linear.scatter [tilespmem:s2], [sflag:$0x2], $0x12000, $0x38;
	[tilespmem:$0x12000] =	vst v63  }
0x1e: {  	s11 =	sadd.s32 $0x6C000, s19;
	s10 =	sshrl.u32 s10, $0x3;
	s9 =	sadd.s32 s20, s9  }
0x1f: {  	[hbm4b:s9+s2] =	stream.linear.scatter [tilespmem:s2], [sflag:$0x2], $0x12000, $0x38;
	[tilespmem:$0x12000] =	vst v63  }
0x20: {  	s12 =	sadd.s32 $0x7E000, s19;
	s11 =	sshrl.u32 s11, $0x3;
	s10 =	sadd.s32 s20, s10  }
0x21: {  	[hbm4b:s10+s2] =	stream.linear.scatter [tilespmem:s2], [sflag:$0x2], $0x12000, $0x38;
	[tilespmem:$0x12000] =	vst v63  }
0x22: {  	s13 =	sadd.s32 $0x90000, s19;
	s12 =	sshrl.u32 s12, $0x3;
	s11 =	sadd.s32 s20, s11  }
0x23: {  	[hbm4b:s11+s2] =	stream.linear.scatter [tilespmem:s2], [sflag:$0x2], $0x12000, $0x38;
	[tilespmem:$0x12000] =	vst v63  }
0x24: {  	s14 =	sadd.s32 $0xA2000, s19;
	s13 =	sshrl.u32 s13, $0x3;
	s12 =	sadd.s32 s20, s12  }
0x25: {  	[hbm4b:s12+s2] =	stream.linear.scatter [tilespmem:s2], [sflag:$0x2], $0x12000, $0x38;
	[tilespmem:$0x12000] =	vst v63  }
0x26: {  	s15 =	sadd.s32 $0xB4000, s19;
	s14 =	sshrl.u32 s14, $0x3;
	s13 =	sadd.s32 s20, s13  }
0x27: {  	[hbm4b:s13+s2] =	stream.linear.scatter [tilespmem:s2], [sflag:$0x2], $0x12000, $0x38;
	[tilespmem:$0x12000] =	vst v63  }
0x28: {  	s16 =	sadd.s32 $0xC6000, s19;
	s15 =	sshrl.u32 s15, $0x3;
	s14 =	sadd.s32 s20, s14  }
0x29: {  	[hbm4b:s14+s2] =	stream.linear.scatter [tilespmem:s2], [sflag:$0x2], $0x12000, $0x38;
	[tilespmem:$0x12000] =	vst v63  }
0x2a: {  	s17 =	sadd.s32 $0xD8000, s19;
	s16 =	sshrl.u32 s16, $0x3;
	s15 =	sadd.s32 s20, s15  }
0x2b: {  	[hbm4b:s15+s2] =	stream.linear.scatter [tilespmem:s2], [sflag:$0x2], $0x12000, $0x38;
	[tilespmem:$0x12000] =	vst v63  }
0x2c: {  	s18 =	sadd.s32 $0xEA000, s19;
	s17 =	sshrl.u32 s17, $0x3;
	s16 =	sadd.s32 s20, s16  }
0x2d: {  	[hbm4b:s16+s2] =	stream.linear.scatter [tilespmem:s2], [sflag:$0x2], $0x12000, $0x38;
	[tilespmem:$0x12000] =	vst v63  }
0x2e: {  	s21 =	sadd.s32 $0xFC000, s19;
	s18 =	sshrl.u32 s18, $0x3;
	s17 =	sadd.s32 s20, s17  }
0x2f: {  	[hbm4b:s17+s2] =	stream.linear.scatter [tilespmem:s2], [sflag:$0x2], $0x12000, $0x38;
	[tilespmem:$0x12000] =	vst v63  }
0x30: {  	s23 =	sadd.s32 $0x10E000, s19;
	s21 =	sshrl.u32 s21, $0x3;
	s18 =	sadd.s32 s20, s18  }
0x31: {  	[hbm4b:s18+s2] =	stream.linear.scatter [tilespmem:s2], [sflag:$0x2], $0x12000, $0x38;
	[tilespmem:$0x12000] =	vst v63  }
0x32: {  	s30 =	sshrl.u32 s23, $0x3;
	s19 =	sadd.s32 s20, s21  }
0x33: {  	[hbm4b:s19+s2] =	stream.linear.scatter [tilespmem:s2], [sflag:$0x2], $0x12000, $0x38;
	[tilespmem:$0x12000] =	vst v63  }
0x34: {  	s21 =	sadd.s32 s20, s30;
	s20 =	simm.s32 $0x2  }
0x35: {  	[hbm4b:s21+s2] =	stream.linear.scatter [tilespmem:s2], [sflag:$0x2], $0x12000, $0x38;
	[tilespmem:$0x12000] =	vst v63  }
0x36: {  	_ =	swait.ge [sflag:s20], $0x12000  }
0x37: {  	[sflag:s20] =	ssyncset.done $0x0  }
0x38: {  	[sflag:s20] =	ssyncadd.s32 $0xFFFEE000  }
0x39: {  	_ =	swait.ge [sflag:s20], $0x12000  }
0x3a: {  	[sflag:s20] =	ssyncset.done $0x0  }
0x3b: {  	[sflag:s20] =	ssyncadd.s32 $0xFFFEE000  }
0x3c: {  	_ =	swait.ge [sflag:s20], $0x12000  }
0x3d: {  	[sflag:s20] =	ssyncset.done $0x0  }
0x3e: {  	[sflag:s20] =	ssyncadd.s32 $0xFFFEE000  }
0x3f: {  	_ =	swait.ge [sflag:s20], $0x12000  }
0x40: {  	[sflag:s20] =	ssyncset.done $0x0  }
0x41: {  	[sflag:s20] =	ssyncadd.s32 $0xFFFEE000  }
0x42: {  	_ =	swait.ge [sflag:s20], $0x12000  }
0x43: {  	[sflag:s20] =	ssyncset.done $0x0  }
0x44: {  	[sflag:s20] =	ssyncadd.s32 $0xFFFEE000  }
0x45: {  	_ =	swait.ge [sflag:s20], $0x12000  }
0x46: {  	[sflag:s20] =	ssyncset.done $0x0  }
0x47: {  	[sflag:s20] =	ssyncadd.s32 $0xFFFEE000  }
0x48: {  	_ =	swait.ge [sflag:s20], $0x12000  }
0x49: {  	[sflag:s20] =	ssyncset.done $0x0  }
0x4a: {  	[sflag:s20] =	ssyncadd.s32 $0xFFFEE000  }
0x4b: {  	_ =	swait.ge [sflag:s20], $0x12000  }
0x4c: {  	[sflag:s20] =	ssyncset.done $0x0  }
0x4d: {  	[sflag:s20] =	ssyncadd.s32 $0xFFFEE000  }
0x4e: {  	_ =	swait.ge [sflag:s20], $0x12000  }
0x4f: {  	[sflag:s20] =	ssyncset.done $0x0  }
0x50: {  	[sflag:s20] =	ssyncadd.s32 $0xFFFEE000  }
0x51: {  	_ =	swait.ge [sflag:s20], $0x12000  }
0x52: {  	[sflag:s20] =	ssyncset.done $0x0  }
0x53: {  	[sflag:s20] =	ssyncadd.s32 $0xFFFEE000  }
0x54: {  	_ =	swait.ge [sflag:s20], $0x12000  }
0x55: {  	[sflag:s20] =	ssyncset.done $0x0  }
0x56: {  	[sflag:s20] =	ssyncadd.s32 $0xFFFEE000  }
0x57: {  	_ =	swait.ge [sflag:s20], $0x12000  }
0x58: {  	[sflag:s20] =	ssyncset.done $0x0  }
0x59: {  	[sflag:s20] =	ssyncadd.s32 $0xFFFEE000  }
0x5a: {  	_ =	swait.ge [sflag:s20], $0x12000  }
0x5b: {  	s22 =	ssub.s32 $0x2, s22;
	[sflag:s20] =	ssyncset.done $0x0  }
0x5c: {  	s31 =	sshrl.u32 s22, $0x1;
	[sflag:s20] =	ssyncadd.s32 $0xFFFEE000  }
0x5d: {  	s22 =	ssub.s32 s22, s31;
	_ =	swait.ge [sflag:s20], $0x12000  }
0x5e: {  	s22 =	smax.u32 s22, $0x1;
	[sflag:s20] =	ssyncset.done $0x0  }
0x5f: {  	p0 =	sne.s32 s22, $0x1;
	[sflag:s20] =	ssyncadd.s32 $0xFFFEE000  }
.Ltmp1:
0x60: {  	_ =	swait.ge [sflag:s20], $0x12000;
	(pc) =	sbr.rel @!p0 .LBB2_3-.Ltmp1, $4  }
0x61: {  	[sflag:s20] =	ssyncset.done $0x0  }
0x62: {  	[sflag:s20] =	ssyncadd.s32 $0xFFFEE000  }
0x63: {  	_ =	swait.ge [sflag:s20], $0x12000  }
0x64: {  	s22 =	sadd.s32 $0xFFFFFFFF, s22;
	[sflag:s20] =	ssyncset.done $0x0  }
.LBB2_2:
0x65: {  	p0 =	sne.s32 s22, $0x1;
	s22 =	sadd.s32 $0xFFFFFFFF, s22;
	[sflag:s20] =	ssyncadd.s32 $0xFFFEE000  }
0x66: {  	[tilespmem:s2], [sflag:$0x1] =	stream.linear.gather [hbm4b:s4+s2], $0x12000, $0x38;
	[tilespmem:$0x12000] =	vst v63  }
0x67: {  	_ =	swait.ge [sflag:s3], $0x12000  }
0x68: {  	[sflag:s3] =	ssyncset.done $0x0  }
0x69: {  	[sflag:s3] =	ssyncadd.s32 $0xFFFEE000  }
0x6a: {  	[hbm4b:s5+s2] =	stream.linear.scatter [tilespmem:s2], [sflag:$0x2], $0x12000, $0x38;
	[tilespmem:$0x12000] =	vst v63  }
0x6b: {  	_ = 	snop  }
0x6c: {  	[hbm4b:s6+s2] =	stream.linear.scatter [tilespmem:s2], [sflag:$0x2], $0x12000, $0x38;
	[tilespmem:$0x12000] =	vst v63  }
0x6d: {  	_ = 	snop  }
0x6e: {  	[hbm4b:s7+s2] =	stream.linear.scatter [tilespmem:s2], [sflag:$0x2], $0x12000, $0x38;
	[tilespmem:$0x12000] =	vst v63  }
0x6f: {  	_ = 	snop  }
0x70: {  	[hbm4b:s8+s2] =	stream.linear.scatter [tilespmem:s2], [sflag:$0x2], $0x12000, $0x38;
	[tilespmem:$0x12000] =	vst v63  }
0x71: {  	_ = 	snop  }
0x72: {  	[hbm4b:s9+s2] =	stream.linear.scatter [tilespmem:s2], [sflag:$0x2], $0x12000, $0x38;
	[tilespmem:$0x12000] =	vst v63  }
0x73: {  	_ = 	snop  }
0x74: {  	[hbm4b:s10+s2] =	stream.linear.scatter [tilespmem:s2], [sflag:$0x2], $0x12000, $0x38;
	[tilespmem:$0x12000] =	vst v63  }
0x75: {  	_ = 	snop  }
0x76: {  	[hbm4b:s11+s2] =	stream.linear.scatter [tilespmem:s2], [sflag:$0x2], $0x12000, $0x38;
	[tilespmem:$0x12000] =	vst v63  }
0x77: {  	_ = 	snop  }
0x78: {  	[hbm4b:s12+s2] =	stream.linear.scatter [tilespmem:s2], [sflag:$0x2], $0x12000, $0x38;
	[tilespmem:$0x12000] =	vst v63  }
0x79: {  	_ = 	snop  }
0x7a: {  	[hbm4b:s13+s2] =	stream.linear.scatter [tilespmem:s2], [sflag:$0x2], $0x12000, $0x38;
	[tilespmem:$0x12000] =	vst v63  }
0x7b: {  	_ = 	snop  }
0x7c: {  	[hbm4b:s14+s2] =	stream.linear.scatter [tilespmem:s2], [sflag:$0x2], $0x12000, $0x38;
	[tilespmem:$0x12000] =	vst v63  }
0x7d: {  	_ = 	snop  }
0x7e: {  	[hbm4b:s15+s2] =	stream.linear.scatter [tilespmem:s2], [sflag:$0x2], $0x12000, $0x38;
	[tilespmem:$0x12000] =	vst v63  }
0x7f: {  	_ = 	snop  }
0x80: {  	[hbm4b:s16+s2] =	stream.linear.scatter [tilespmem:s2], [sflag:$0x2], $0x12000, $0x38;
	[tilespmem:$0x12000] =	vst v63  }
0x81: {  	_ = 	snop  }
0x82: {  	[hbm4b:s17+s2] =	stream.linear.scatter [tilespmem:s2], [sflag:$0x2], $0x12000, $0x38;
	[tilespmem:$0x12000] =	vst v63  }
0x83: {  	_ = 	snop  }
0x84: {  	[hbm4b:s18+s2] =	stream.linear.scatter [tilespmem:s2], [sflag:$0x2], $0x12000, $0x38;
	[tilespmem:$0x12000] =	vst v63  }
0x85: {  	_ = 	snop  }
0x86: {  	[hbm4b:s19+s2] =	stream.linear.scatter [tilespmem:s2], [sflag:$0x2], $0x12000, $0x38;
	[tilespmem:$0x12000] =	vst v63  }
0x87: {  	_ = 	snop  }
0x88: {  	[hbm4b:s21+s2] =	stream.linear.scatter [tilespmem:s2], [sflag:$0x2], $0x12000, $0x38;
	[tilespmem:$0x12000] =	vst v63  }
0x89: {  	_ =	swait.ge [sflag:s20], $0x12000  }
0x8a: {  	[sflag:s20] =	ssyncset.done $0x0  }
0x8b: {  	[sflag:s20] =	ssyncadd.s32 $0xFFFEE000  }
0x8c: {  	_ =	swait.ge [sflag:s20], $0x12000  }
0x8d: {  	[sflag:s20] =	ssyncset.done $0x0  }
0x8e: {  	[sflag:s20] =	ssyncadd.s32 $0xFFFEE000  }
0x8f: {  	_ =	swait.ge [sflag:s20], $0x12000  }
0x90: {  	[sflag:s20] =	ssyncset.done $0x0  }
0x91: {  	[sflag:s20] =	ssyncadd.s32 $0xFFFEE000  }
0x92: {  	_ =	swait.ge [sflag:s20], $0x12000  }
0x93: {  	[sflag:s20] =	ssyncset.done $0x0  }
0x94: {  	[sflag:s20] =	ssyncadd.s32 $0xFFFEE000  }
0x95: {  	_ =	swait.ge [sflag:s20], $0x12000  }
0x96: {  	[sflag:s20] =	ssyncset.done $0x0  }
0x97: {  	[sflag:s20] =	ssyncadd.s32 $0xFFFEE000  }
0x98: {  	_ =	swait.ge [sflag:s20], $0x12000  }
0x99: {  	[sflag:s20] =	ssyncset.done $0x0  }
0x9a: {  	[sflag:s20] =	ssyncadd.s32 $0xFFFEE000  }
0x9b: {  	_ =	swait.ge [sflag:s20], $0x12000  }
0x9c: {  	[sflag:s20] =	ssyncset.done $0x0  }
0x9d: {  	[sflag:s20] =	ssyncadd.s32 $0xFFFEE000  }
0x9e: {  	_ =	swait.ge [sflag:s20], $0x12000  }
0x9f: {  	[sflag:s20] =	ssyncset.done $0x0  }
0xa0: {  	[sflag:s20] =	ssyncadd.s32 $0xFFFEE000  }
0xa1: {  	_ =	swait.ge [sflag:s20], $0x12000  }
0xa2: {  	[sflag:s20] =	ssyncset.done $0x0  }
0xa3: {  	[sflag:s20] =	ssyncadd.s32 $0xFFFEE000  }
0xa4: {  	_ =	swait.ge [sflag:s20], $0x12000  }
0xa5: {  	[sflag:s20] =	ssyncset.done $0x0  }
0xa6: {  	[sflag:s20] =	ssyncadd.s32 $0xFFFEE000  }
0xa7: {  	_ =	swait.ge [sflag:s20], $0x12000  }
0xa8: {  	[sflag:s20] =	ssyncset.done $0x0  }
0xa9: {  	[sflag:s20] =	ssyncadd.s32 $0xFFFEE000  }
0xaa: {  	_ =	swait.ge [sflag:s20], $0x12000  }
0xab: {  	[sflag:s20] =	ssyncset.done $0x0  }
0xac: {  	[sflag:s20] =	ssyncadd.s32 $0xFFFEE000  }
0xad: {  	_ =	swait.ge [sflag:s20], $0x12000  }
0xae: {  	[sflag:s20] =	ssyncset.done $0x0  }
0xaf: {  	[sflag:s20] =	ssyncadd.s32 $0xFFFEE000  }
0xb0: {  	_ =	swait.ge [sflag:s20], $0x12000  }
0xb1: {  	[sflag:s20] =	ssyncset.done $0x0  }
0xb2: {  	[sflag:s20] =	ssyncadd.s32 $0xFFFEE000  }
.Ltmp2:
0xb3: {  	_ =	swait.ge [sflag:s20], $0x12000;
	(pc) =	sbr.rel @p0 .LBB2_2-.Ltmp2, $4  }
0xb4: {  	[sflag:s20] =	ssyncset.done $0x0  }
0xb5: {  	[sflag:s20] =	ssyncadd.s32 $0xFFFEE000  }
0xb6: {  	_ =	swait.ge [sflag:s20], $0x12000  }
0xb7: {  	[sflag:s20] =	ssyncset.done $0x0  }
.LBB2_3:
0xb8: {  	[sflag:s20] =	ssyncadd.s32 $0xFFFEE000  }
.LBB2_4:
0xb9: {  	_ =	sfence.sel $0x180000  }
0xba: {  	[bflag:$0x0] =	sbarrier.arrive $0xFFFF  }
0xbb: {  	p0 =	sne.s32 s1, $0x0;
	_ =	strace $0x90000047  }
0xbc: {  	s0 =	sadd.s32 @!p0 $0x100000, s0;
	[bflag:$0x2] =	sbarrier.arrive $0xFFFF  }
0xbd: {  	[sflag:s0] =	ssyncadd.tile.s32 @!p0 $0x1;
	_ =	shalt  }
.Lfunc_end2:
_tile_overlayer_lowered:
.L_overlay_start_2:
0xbe: {  	(tag) =	ssettag $0x2  }
0xbf: {  	s0 =	rddreg [dreg:$0x0];
	s2 =	stileid.u32  }
0xc0: {  	s1 =	rddreg [dreg:$0x1];
	p0 =	sne.s32 s2, $0x0  }
0xc1: {  	s3 =	rddreg [dreg:$0x2];
	[bflag:$0x3] =	sbarrier.arrive $0xFFFF;
	s2 =	simm.s32 @!p0 $0x1C03  }
0xc2: {  	[timem:s3], [sflag:s2] =	dma.local @!p0 [hbm:s0], s1  }
0xc3: {  	s0 =	simm.s32 @!p0 $0x3  }
0xc4: {  	_ =	swait.ge @!p0 [sflag:s0], s1  }
0xc5: {  	s1 =	ssub.s32 @!p0 $0x0, s1;
	[sflag:s0] =	ssyncset.done @!p0 $0x0  }
0xc6: {  	[sflag:s0] =	ssyncadd.s32 @!p0 s1  }
0xc7: {  	[bflag:$0x3] =	sbarrier.arrive $0xFFFF  }
0xc8: {  	_ =	shalt  }

</sc_bundles>
